<compile_context>
chip_gen: v7x
topology: tpu7x:2x2x1
jax: 0.10.2.dev20260603
libtpu: 0.0.44.dev20260713+nightly
codegen_flags: <defaults>
</compile_context>

<pallas_src>
import functools

import jax
import jax.numpy as jnp
from jax import lax
from jax.experimental import pallas as pl
from jax.experimental.pallas import tpu as pltpu
from jax.experimental.pallas import tpu_sc as plsc

NC = 2
NS = 16
NW = NC * NS
NBUF = 4


@functools.partial(jax.jit, static_argnames=("bw", "hist", "d"))
def _sc_gather(idx, weight, *, bw, hist, d):
  outer = bw // NBUF
  mesh = plsc.VectorSubcoreMesh(
      core_axis_name="c", subcore_axis_name="s",
      num_cores=NC, num_subcores=NS)

  @functools.partial(
      pl.kernel,
      out_type=jax.ShapeDtypeStruct((NW * bw, hist, d), jnp.float32),
      mesh=mesh,
      scratch_types=[
          pltpu.VMEM((bw * hist,), jnp.int32),
          pltpu.VMEM((NBUF, hist, d), jnp.float32),
          pltpu.SemaphoreType.DMA((NBUF,)),
          pltpu.SemaphoreType.DMA((NBUF,)),
      ],
      compiler_params=pltpu.CompilerParams(use_tc_tiling_on_sc=False),
  )
  def body(idx_hbm, table_hbm, out_hbm, idx_v, rows_v, sem_in, sem_out):
    wid = lax.axis_index("s") * NC + lax.axis_index("c")
    pltpu.sync_copy(idx_hbm.at[pl.ds(wid * bw * hist, bw * hist)], idx_v)
    for b in range(NBUF):
      pltpu.async_copy(
          table_hbm.at[idx_v.at[pl.ds(b * hist, hist)]],
          rows_v.at[b], sem_in.at[b])

    @pl.loop(0, outer)
    def _(g):
      for b in range(NBUF):
        r = g * NBUF + b
        pltpu.make_async_copy(
            table_hbm.at[idx_v.at[pl.ds(r * hist, hist)]],
            rows_v.at[b], sem_in.at[b]).wait()
        pltpu.async_copy(rows_v.at[b], out_hbm.at[wid * bw + r], sem_out.at[b])

        @pl.when(g < outer - 1)
        def _():
          pltpu.make_async_copy(
              rows_v.at[b], out_hbm.at[wid * bw + r], sem_out.at[b]).wait()
          pltpu.async_copy(
              table_hbm.at[idx_v.at[pl.ds((r + NBUF) * hist, hist)]],
              rows_v.at[b], sem_in.at[b])

    for b in range(NBUF):
      r = (outer - 1) * NBUF + b
      pltpu.make_async_copy(
          rows_v.at[b], out_hbm.at[wid * bw + r], sem_out.at[b]).wait()

  return body(idx, weight)


def kernel(inputs, weight):
  batch, hist = inputs.shape
  d = weight.shape[1]
  assert batch % (NW * NBUF) == 0
  bw = batch // NW
  idx = jax.lax.optimization_barrier(
      inputs.astype(jnp.int32).reshape(batch * hist))
  wt = jax.lax.optimization_barrier(weight.reshape(-1)).reshape(
      weight.shape[0], d)
  return _sc_gather(idx, wt, bw=bw, hist=hist, d=d)

# --- scband reference (transcript-rebuilt; emitter-appended) ---
"""Pipeline reference for scband-word-embedding-28544352649976 (READ-ONLY COPY).

The authoritative reference and input builder live on the scoring server;
editing this copy changes nothing except your own understanding.
"""

import jax, jax.numpy as jnp
import numpy as np

VOCAB_SIZE = 1000000
EMBED_DIM = 64
PADDING_IDX = 0
BATCH = 4096
HIST_LEN = 200


def setup_inputs(seed: int = 0) -> dict:
    key = jax.random.key(seed)
    k_idx, k_w = jax.random.split(key)
    inputs = jax.random.randint(k_idx, (BATCH, HIST_LEN), 0, VOCAB_SIZE, dtype=jnp.int64 if jax.config.read('jax_enable_x64') else jnp.int32)
    # nn.Embedding default init: N(0, 1); padding_idx row zeroed
    weight = jax.random.normal(k_w, (VOCAB_SIZE, EMBED_DIM), dtype=jnp.float32)
    weight = weight.at[PADDING_IDX].set(0.0)
    return {"inputs": inputs, "weight": weight}


def reference(inputs, weight):
    # Faithful translation of nn.Embedding forward: row gather from the table.
    out = jnp.take(weight, inputs, axis=0)
    return out

if __name__ == "__main__":
    import jax
    _d = setup_inputs()
    print(jax.jit(kernel)(*tuple(_d.values())))

</pallas_src>

<mosaic_0001>
#map = affine_map<(d0, d1) -> (0)>
#map1 = affine_map<(d0, d1) -> (0, 0)>
#map2 = affine_map<(d0, d1) -> (0, 0, 0)>
module attributes {stable_mosaic.version = 14 : i64} {
  func.func @body(%arg0: i32, %arg1: i32, %arg2: memref<819200xi32, #tpu.memory_space<hbm>>, %arg3: memref<1000000x64xf32, #tpu.memory_space<hbm>>, %arg4: memref<4096x200x64xf32, #tpu.memory_space<hbm>>, %arg5: memref<25600xi32, #tpu.memory_space<vmem>>, %arg6: memref<4x200x64xf32, #tpu.memory_space<vmem>>, %arg7: memref<4x!tpu.dma_semaphore, #tpu.memory_space<semaphore_mem>>, %arg8: memref<4x!tpu.dma_semaphore, #tpu.memory_space<semaphore_mem>>) attributes {dimension_semantics = [#tpu.dimension_semantics<core_parallel>, #tpu.dimension_semantics<subcore_parallel>], iteration_bounds = array<i64: 2, 16>, scalar_prefetch = 0 : i64, scratch_operands = 4 : i64, tpu.core_type = #tpu.core_type<sc_vector_subcore>, window_params = [{transform_indices = #map}, {transform_indices = #map1}, {transform_indices = #map2}]} {
    %mul3A = arith.constant 2 : i32
    %mul3A_0 = arith.muli %arg1, %mul3A : i32
    %add3A = arith.addi %mul3A_0, %arg0 : i32
    %mul3A_1 = arith.constant 128 : i32
    %mul3A_2 = arith.muli %add3A, %mul3A_1 : i32
    %mul3A_3 = arith.constant 200 : i32
    %mul3A_4 = arith.muli %mul3A_2, %mul3A_3 : i32
    "tpu.region"() ({
      %run_scoped3A = tpu.sem_alloc : memref<!tpu.dma_semaphore, #tpu.memory_space<semaphore_mem>>
      %dma_start3A_155 = tpu.memref_slice %arg2[%mul3A_4] : memref<819200xi32, #tpu.memory_space<hbm>> -> memref<25600xi32, #tpu.memory_space<hbm>>
      %dma_start3A_156 = tpu.memref_slice %arg2[%mul3A_4] : memref<819200xi32, #tpu.memory_space<hbm>> -> memref<25600xi32, #tpu.memory_space<hbm>>
      tpu.enqueue_dma source(%dma_start3A_156 : memref<25600xi32, #tpu.memory_space<hbm>>) target(%arg5 : memref<25600xi32, #tpu.memory_space<vmem>>) target_semaphore(%run_scoped3A : memref<!tpu.dma_semaphore, #tpu.memory_space<semaphore_mem>>)
      %dma_wait3A_157 = tpu.memref_slice %arg2[%mul3A_4] : memref<819200xi32, #tpu.memory_space<hbm>> -> memref<25600xi32, #tpu.memory_space<hbm>>
      %dma_wait3A_158 = tpu.memref_slice %arg2[%mul3A_4] : memref<819200xi32, #tpu.memory_space<hbm>> -> memref<25600xi32, #tpu.memory_space<hbm>>
      tpu.wait_dma2 semaphore(%run_scoped3A : memref<!tpu.dma_semaphore, #tpu.memory_space<semaphore_mem>>) src(%dma_wait3A_158 : memref<25600xi32, #tpu.memory_space<hbm>>) dst(%arg5 : memref<25600xi32, #tpu.memory_space<vmem>>)
      tpu.yield
    }) : () -> ()
    %dma_start3A = arith.constant 0 : i32
    %dma_start3A_5 = arith.constant 0 : i32
    %dma_start3A_6 = arith.constant 0 : i32
    %dma_start3A_7 = arith.constant 0 : i32
    %dma_start3A_8 = tpu.memref_slice %arg6[%dma_start3A, %dma_start3A_6, %dma_start3A_7] : memref<4x200x64xf32, #tpu.memory_space<vmem>> -> memref<1x200x64xf32, #tpu.memory_space<vmem>>
    %dma_start3A_9 = tpu.memref_squeeze %dma_start3A_8 : memref<1x200x64xf32, #tpu.memory_space<vmem>> -> memref<200x64xf32, #tpu.memory_space<vmem>>
    %dma_start3A_10 = arith.constant 0 : i32
    %dma_start3A_11 = tpu.memref_slice %arg5[%dma_start3A_10] : memref<25600xi32, #tpu.memory_space<vmem>> -> memref<200xi32, #tpu.memory_space<vmem>>
    %dma_start3A_12 = arith.constant 0 : i32
    %dma_start3A_13 = arith.constant 0 : i32
    %dma_start3A_14 = tpu.memref_slice %arg3[%dma_start3A_12, %dma_start3A_13] : memref<1000000x64xf32, #tpu.memory_space<hbm>> -> memref<1000000x64xf32, #tpu.memory_space<hbm>>
    %dma_start3A_15 = tpu.memref_slice %arg7[%dma_start3A_5] : memref<4x!tpu.dma_semaphore, #tpu.memory_space<semaphore_mem>> -> memref<1x!tpu.dma_semaphore, #tpu.memory_space<semaphore_mem>>
    %dma_start3A_16 = tpu.memref_squeeze %dma_start3A_15 : memref<1x!tpu.dma_semaphore, #tpu.memory_space<semaphore_mem>> -> memref<!tpu.dma_semaphore, #tpu.memory_space<semaphore_mem>>
    tpu.enqueue_indirect_dma source(%dma_start3A_14 : memref<1000000x64xf32, #tpu.memory_space<hbm>>) target(%dma_start3A_9 : memref<200x64xf32, #tpu.memory_space<vmem>>) offsets(%dma_start3A_11 : memref<200xi32, #tpu.memory_space<vmem>>) semaphore(%dma_start3A_16 : memref<!tpu.dma_semaphore, #tpu.memory_space<semaphore_mem>>)
    %dma_start3A_17 = arith.constant 1 : i32
    %dma_start3A_18 = arith.constant 1 : i32
    %dma_start3A_19 = arith.constant 0 : i32
    %dma_start3A_20 = arith.constant 0 : i32
    %dma_start3A_21 = tpu.memref_slice %arg6[%dma_start3A_17, %dma_start3A_19, %dma_start3A_20] : memref<4x200x64xf32, #tpu.memory_space<vmem>> -> memref<1x200x64xf32, #tpu.memory_space<vmem>>
    %dma_start3A_22 = tpu.memref_squeeze %dma_start3A_21 : memref<1x200x64xf32, #tpu.memory_space<vmem>> -> memref<200x64xf32, #tpu.memory_space<vmem>>
    %dma_start3A_23 = arith.constant 200 : i32
    %dma_start3A_24 = tpu.memref_slice %arg5[%dma_start3A_23] : memref<25600xi32, #tpu.memory_space<vmem>> -> memref<200xi32, #tpu.memory_space<vmem>>
    %dma_start3A_25 = arith.constant 0 : i32
    %dma_start3A_26 = arith.constant 0 : i32
    %dma_start3A_27 = tpu.memref_slice %arg3[%dma_start3A_25, %dma_start3A_26] : memref<1000000x64xf32, #tpu.memory_space<hbm>> -> memref<1000000x64xf32, #tpu.memory_space<hbm>>
    %dma_start3A_28 = tpu.memref_slice %arg7[%dma_start3A_18] : memref<4x!tpu.dma_semaphore, #tpu.memory_space<semaphore_mem>> -> memref<1x!tpu.dma_semaphore, #tpu.memory_space<semaphore_mem>>
    %dma_start3A_29 = tpu.memref_squeeze %dma_start3A_28 : memref<1x!tpu.dma_semaphore, #tpu.memory_space<semaphore_mem>> -> memref<!tpu.dma_semaphore, #tpu.memory_space<semaphore_mem>>
    tpu.enqueue_indirect_dma source(%dma_start3A_27 : memref<1000000x64xf32, #tpu.memory_space<hbm>>) target(%dma_start3A_22 : memref<200x64xf32, #tpu.memory_space<vmem>>) offsets(%dma_start3A_24 : memref<200xi32, #tpu.memory_space<vmem>>) semaphore(%dma_start3A_29 : memref<!tpu.dma_semaphore, #tpu.memory_space<semaphore_mem>>)
    %dma_start3A_30 = arith.constant 2 : i32
    %dma_start3A_31 = arith.constant 2 : i32
    %dma_start3A_32 = arith.constant 0 : i32
    %dma_start3A_33 = arith.constant 0 : i32
    %dma_start3A_34 = tpu.memref_slice %arg6[%dma_start3A_30, %dma_start3A_32, %dma_start3A_33] : memref<4x200x64xf32, #tpu.memory_space<vmem>> -> memref<1x200x64xf32, #tpu.memory_space<vmem>>
    %dma_start3A_35 = tpu.memref_squeeze %dma_start3A_34 : memref<1x200x64xf32, #tpu.memory_space<vmem>> -> memref<200x64xf32, #tpu.memory_space<vmem>>
    %dma_start3A_36 = arith.constant 400 : i32
    %dma_start3A_37 = tpu.memref_slice %arg5[%dma_start3A_36] : memref<25600xi32, #tpu.memory_space<vmem>> -> memref<200xi32, #tpu.memory_space<vmem>>
    %dma_start3A_38 = arith.constant 0 : i32
    %dma_start3A_39 = arith.constant 0 : i32
    %dma_start3A_40 = tpu.memref_slice %arg3[%dma_start3A_38, %dma_start3A_39] : memref<1000000x64xf32, #tpu.memory_space<hbm>> -> memref<1000000x64xf32, #tpu.memory_space<hbm>>
    %dma_start3A_41 = tpu.memref_slice %arg7[%dma_start3A_31] : memref<4x!tpu.dma_semaphore, #tpu.memory_space<semaphore_mem>> -> memref<1x!tpu.dma_semaphore, #tpu.memory_space<semaphore_mem>>
    %dma_start3A_42 = tpu.memref_squeeze %dma_start3A_41 : memref<1x!tpu.dma_semaphore, #tpu.memory_space<semaphore_mem>> -> memref<!tpu.dma_semaphore, #tpu.memory_space<semaphore_mem>>
    tpu.enqueue_indirect_dma source(%dma_start3A_40 : memref<1000000x64xf32, #tpu.memory_space<hbm>>) target(%dma_start3A_35 : memref<200x64xf32, #tpu.memory_space<vmem>>) offsets(%dma_start3A_37 : memref<200xi32, #tpu.memory_space<vmem>>) semaphore(%dma_start3A_42 : memref<!tpu.dma_semaphore, #tpu.memory_space<semaphore_mem>>)
    %dma_start3A_43 = arith.constant 3 : i32
    %dma_start3A_44 = arith.constant 3 : i32
    %dma_start3A_45 = arith.constant 0 : i32
    %dma_start3A_46 = arith.constant 0 : i32
    %dma_start3A_47 = tpu.memref_slice %arg6[%dma_start3A_43, %dma_start3A_45, %dma_start3A_46] : memref<4x200x64xf32, #tpu.memory_space<vmem>> -> memref<1x200x64xf32, #tpu.memory_space<vmem>>
    %dma_start3A_48 = tpu.memref_squeeze %dma_start3A_47 : memref<1x200x64xf32, #tpu.memory_space<vmem>> -> memref<200x64xf32, #tpu.memory_space<vmem>>
    %dma_start3A_49 = arith.constant 600 : i32
    %dma_start3A_50 = tpu.memref_slice %arg5[%dma_start3A_49] : memref<25600xi32, #tpu.memory_space<vmem>> -> memref<200xi32, #tpu.memory_space<vmem>>
    %dma_start3A_51 = arith.constant 0 : i32
    %dma_start3A_52 = arith.constant 0 : i32
    %dma_start3A_53 = tpu.memref_slice %arg3[%dma_start3A_51, %dma_start3A_52] : memref<1000000x64xf32, #tpu.memory_space<hbm>> -> memref<1000000x64xf32, #tpu.memory_space<hbm>>
    %dma_start3A_54 = tpu.memref_slice %arg7[%dma_start3A_44] : memref<4x!tpu.dma_semaphore, #tpu.memory_space<semaphore_mem>> -> memref<1x!tpu.dma_semaphore, #tpu.memory_space<semaphore_mem>>
    %dma_start3A_55 = tpu.memref_squeeze %dma_start3A_54 : memref<1x!tpu.dma_semaphore, #tpu.memory_space<semaphore_mem>> -> memref<!tpu.dma_semaphore, #tpu.memory_space<semaphore_mem>>
    tpu.enqueue_indirect_dma source(%dma_start3A_53 : memref<1000000x64xf32, #tpu.memory_space<hbm>>) target(%dma_start3A_48 : memref<200x64xf32, #tpu.memory_space<vmem>>) offsets(%dma_start3A_50 : memref<200xi32, #tpu.memory_space<vmem>>) semaphore(%dma_start3A_55 : memref<!tpu.dma_semaphore, #tpu.memory_space<semaphore_mem>>)
    %scan3A = arith.constant 0 : i32
    %scan3A_56 = arith.constant 32 : i32
    %scan3A_57 = arith.addi %scan3A, %scan3A_56 : i32
    %scan3A_58 = arith.constant 1 : i32
    scf.for %scan3A_155 = %scan3A to %scan3A_57 step %scan3A_58  : i32 {
      %mul3A_156 = arith.constant 1 : i32
      %mul3A_157 = arith.muli %scan3A_155, %mul3A_156 : i32
      %add3A_158 = arith.constant 0 : i32
      %add3A_159 = arith.addi %add3A_158, %mul3A_157 : i32
      %mul3A_160 = arith.constant 4 : i32
      %mul3A_161 = arith.muli %add3A_159, %mul3A_160 : i32
      %add3A_162 = arith.constant 0 : i32
      %add3A_163 = arith.addi %mul3A_161, %add3A_162 : i32
      %mul3A_164 = arith.constant 200 : i32
      %mul3A_165 = arith.muli %add3A_163, %mul3A_164 : i32
      %dma_wait3A_166 = arith.constant 0 : i32
      %dma_wait3A_167 = arith.constant 0 : i32
      %dma_wait3A_168 = arith.constant 0 : i32
      %dma_wait3A_169 = arith.constant 0 : i32
      %dma_wait3A_170 = tpu.memref_slice %arg6[%dma_wait3A_166, %dma_wait3A_168, %dma_wait3A_169] : memref<4x200x64xf32, #tpu.memory_space<vmem>> -> memref<1x200x64xf32, #tpu.memory_space<vmem>>
      %dma_wait3A_171 = tpu.memref_squeeze %dma_wait3A_170 : memref<1x200x64xf32, #tpu.memory_space<vmem>> -> memref<200x64xf32, #tpu.memory_space<vmem>>
      %dma_wait3A_172 = tpu.memref_slice %arg5[%mul3A_165] : memref<25600xi32, #tpu.memory_space<vmem>> -> memref<200xi32, #tpu.memory_space<vmem>>
      %dma_wait3A_173 = arith.constant 0 : i32
      %dma_wait3A_174 = arith.constant 0 : i32
      %dma_wait3A_175 = tpu.memref_slice %arg3[%dma_wait3A_173, %dma_wait3A_174] : memref<1000000x64xf32, #tpu.memory_space<hbm>> -> memref<1000000x64xf32, #tpu.memory_space<hbm>>
      %dma_wait3A_176 = tpu.memref_slice %arg7[%dma_wait3A_167] : memref<4x!tpu.dma_semaphore, #tpu.memory_space<semaphore_mem>> -> memref<1x!tpu.dma_semaphore, #tpu.memory_space<semaphore_mem>>
      %dma_wait3A_177 = tpu.memref_squeeze %dma_wait3A_176 : memref<1x!tpu.dma_semaphore, #tpu.memory_space<semaphore_mem>> -> memref<!tpu.dma_semaphore, #tpu.memory_space<semaphore_mem>>
      tpu.wait_indirect_dma semaphore(%dma_wait3A_177 : memref<!tpu.dma_semaphore, #tpu.memory_space<semaphore_mem>>) src(%dma_wait3A_175 : memref<1000000x64xf32, #tpu.memory_space<hbm>>) dst(%dma_wait3A_171 : memref<200x64xf32, #tpu.memory_space<vmem>>)
      %mul3A_178 = arith.constant 128 : i32
      %mul3A_179 = arith.muli %add3A, %mul3A_178 : i32
      %add3A_180 = arith.addi %mul3A_179, %add3A_163 : i32
      %dma_start3A_181 = arith.constant 0 : i32
      %dma_start3A_182 = arith.constant 0 : i32
      %dma_start3A_183 = arith.constant 0 : i32
      %dma_start3A_184 = arith.constant 0 : i32
      %dma_start3A_185 = tpu.memref_slice %arg6[%dma_start3A_181, %dma_start3A_183, %dma_start3A_184] : memref<4x200x64xf32, #tpu.memory_space<vmem>> -> memref<1x200x64xf32, #tpu.memory_space<vmem>>
      %dma_start3A_186 = tpu.memref_squeeze %dma_start3A_185 : memref<1x200x64xf32, #tpu.memory_space<vmem>> -> memref<200x64xf32, #tpu.memory_space<vmem>>
      %dma_start3A_187 = arith.constant 0 : i32
      %dma_start3A_188 = arith.constant 0 : i32
      %dma_start3A_189 = tpu.memref_slice %arg4[%add3A_180, %dma_start3A_187, %dma_start3A_188] : memref<4096x200x64xf32, #tpu.memory_space<hbm>> -> memref<1x200x64xf32, #tpu.memory_space<hbm>>
      %dma_start3A_190 = tpu.memref_squeeze %dma_start3A_189 : memref<1x200x64xf32, #tpu.memory_space<hbm>> -> memref<200x64xf32, #tpu.memory_space<hbm>>
      %dma_start3A_191 = tpu.memref_slice %arg8[%dma_start3A_182] : memref<4x!tpu.dma_semaphore, #tpu.memory_space<semaphore_mem>> -> memref<1x!tpu.dma_semaphore, #tpu.memory_space<semaphore_mem>>
      %dma_start3A_192 = tpu.memref_squeeze %dma_start3A_191 : memref<1x!tpu.dma_semaphore, #tpu.memory_space<semaphore_mem>> -> memref<!tpu.dma_semaphore, #tpu.memory_space<semaphore_mem>>
      %dma_start3A_193 = arith.constant 0 : i32
      %dma_start3A_194 = arith.constant 0 : i32
      %dma_start3A_195 = tpu.memref_slice %arg4[%add3A_180, %dma_start3A_193, %dma_start3A_194] : memref<4096x200x64xf32, #tpu.memory_space<hbm>> -> memref<1x200x64xf32, #tpu.memory_space<hbm>>
      %dma_start3A_196 = tpu.memref_squeeze %dma_start3A_195 : memref<1x200x64xf32, #tpu.memory_space<hbm>> -> memref<200x64xf32, #tpu.memory_space<hbm>>
      %dma_start3A_197 = arith.constant 0 : i32
      %dma_start3A_198 = arith.constant 0 : i32
      %dma_start3A_199 = tpu.memref_slice %arg6[%dma_start3A_181, %dma_start3A_197, %dma_start3A_198] : memref<4x200x64xf32, #tpu.memory_space<vmem>> -> memref<1x200x64xf32, #tpu.memory_space<vmem>>
      %dma_start3A_200 = tpu.memref_squeeze %dma_start3A_199 : memref<1x200x64xf32, #tpu.memory_space<vmem>> -> memref<200x64xf32, #tpu.memory_space<vmem>>
      tpu.enqueue_dma source(%dma_start3A_200 : memref<200x64xf32, #tpu.memory_space<vmem>>) target(%dma_start3A_196 : memref<200x64xf32, #tpu.memory_space<hbm>>) target_semaphore(%dma_start3A_192 : memref<!tpu.dma_semaphore, #tpu.memory_space<semaphore_mem>>)
      %lt3A = arith.constant 31 : i32
      %lt3A_201 = arith.cmpi slt, %add3A_159, %lt3A : i32
      %convert_element_type3A = arith.extui %lt3A_201 : i1 to i32
      %cond3A = arith.constant 0 : i32
      %cond3A_202 = arith.cmpi ne, %convert_element_type3A, %cond3A : i32
      scf.if %cond3A_202 {
        %mul3A_341 = arith.constant 128 : i32
        %mul3A_342 = arith.muli %add3A, %mul3A_341 : i32
        %add3A_343 = arith.addi %mul3A_342, %add3A_163 : i32
        %dma_wait3A_344 = arith.constant 0 : i32
        %dma_wait3A_345 = arith.constant 0 : i32
        %dma_wait3A_346 = arith.constant 0 : i32
        %dma_wait3A_347 = arith.constant 0 : i32
        %dma_wait3A_348 = tpu.memref_slice %arg6[%dma_wait3A_344, %dma_wait3A_346, %dma_wait3A_347] : memref<4x200x64xf32, #tpu.memory_space<vmem>> -> memref<1x200x64xf32, #tpu.memory_space<vmem>>
        %dma_wait3A_349 = tpu.memref_squeeze %dma_wait3A_348 : memref<1x200x64xf32, #tpu.memory_space<vmem>> -> memref<200x64xf32, #tpu.memory_space<vmem>>
        %dma_wait3A_350 = arith.constant 0 : i32
        %dma_wait3A_351 = arith.constant 0 : i32
        %dma_wait3A_352 = tpu.memref_slice %arg4[%add3A_343, %dma_wait3A_350, %dma_wait3A_351] : memref<4096x200x64xf32, #tpu.memory_space<hbm>> -> memref<1x200x64xf32, #tpu.memory_space<hbm>>
        %dma_wait3A_353 = tpu.memref_squeeze %dma_wait3A_352 : memref<1x200x64xf32, #tpu.memory_space<hbm>> -> memref<200x64xf32, #tpu.memory_space<hbm>>
        %dma_wait3A_354 = tpu.memref_slice %arg8[%dma_wait3A_345] : memref<4x!tpu.dma_semaphore, #tpu.memory_space<semaphore_mem>> -> memref<1x!tpu.dma_semaphore, #tpu.memory_space<semaphore_mem>>
        %dma_wait3A_355 = tpu.memref_squeeze %dma_wait3A_354 : memref<1x!tpu.dma_semaphore, #tpu.memory_space<semaphore_mem>> -> memref<!tpu.dma_semaphore, #tpu.memory_space<semaphore_mem>>
        %dma_wait3A_356 = arith.constant 0 : i32
        %dma_wait3A_357 = arith.constant 0 : i32
        %dma_wait3A_358 = tpu.memref_slice %arg4[%add3A_343, %dma_wait3A_356, %dma_wait3A_357] : memref<4096x200x64xf32, #tpu.memory_space<hbm>> -> memref<1x200x64xf32, #tpu.memory_space<hbm>>
        %dma_wait3A_359 = tpu.memref_squeeze %dma_wait3A_358 : memref<1x200x64xf32, #tpu.memory_space<hbm>> -> memref<200x64xf32, #tpu.memory_space<hbm>>
        %dma_wait3A_360 = arith.constant 0 : i32
        %dma_wait3A_361 = arith.constant 0 : i32
        %dma_wait3A_362 = tpu.memref_slice %arg6[%dma_wait3A_344, %dma_wait3A_360, %dma_wait3A_361] : memref<4x200x64xf32, #tpu.memory_space<vmem>> -> memref<1x200x64xf32, #tpu.memory_space<vmem>>
        %dma_wait3A_363 = tpu.memref_squeeze %dma_wait3A_362 : memref<1x200x64xf32, #tpu.memory_space<vmem>> -> memref<200x64xf32, #tpu.memory_space<vmem>>
        tpu.wait_dma2 semaphore(%dma_wait3A_355 : memref<!tpu.dma_semaphore, #tpu.memory_space<semaphore_mem>>) src(%dma_wait3A_363 : memref<200x64xf32, #tpu.memory_space<vmem>>) dst(%dma_wait3A_359 : memref<200x64xf32, #tpu.memory_space<hbm>>)
        %add3A_364 = arith.constant 4 : i32
        %add3A_365 = arith.addi %add3A_163, %add3A_364 : i32
        %mul3A_366 = arith.constant 200 : i32
        %mul3A_367 = arith.muli %add3A_365, %mul3A_366 : i32
        %dma_start3A_368 = arith.constant 0 : i32
        %dma_start3A_369 = arith.constant 0 : i32
        %dma_start3A_370 = arith.constant 0 : i32
        %dma_start3A_371 = arith.constant 0 : i32
        %dma_start3A_372 = tpu.memref_slice %arg6[%dma_start3A_368, %dma_start3A_370, %dma_start3A_371] : memref<4x200x64xf32, #tpu.memory_space<vmem>> -> memref<1x200x64xf32, #tpu.memory_space<vmem>>
        %dma_start3A_373 = tpu.memref_squeeze %dma_start3A_372 : memref<1x200x64xf32, #tpu.memory_space<vmem>> -> memref<200x64xf32, #tpu.memory_space<vmem>>
        %dma_start3A_374 = tpu.memref_slice %arg5[%mul3A_367] : memref<25600xi32, #tpu.memory_space<vmem>> -> memref<200xi32, #tpu.memory_space<vmem>>
        %dma_start3A_375 = arith.constant 0 : i32
        %dma_start3A_376 = arith.constant 0 : i32
        %dma_start3A_377 = tpu.memref_slice %arg3[%dma_start3A_375, %dma_start3A_376] : memref<1000000x64xf32, #tpu.memory_space<hbm>> -> memref<1000000x64xf32, #tpu.memory_space<hbm>>
        %dma_start3A_378 = tpu.memref_slice %arg7[%dma_start3A_369] : memref<4x!tpu.dma_semaphore, #tpu.memory_space<semaphore_mem>> -> memref<1x!tpu.dma_semaphore, #tpu.memory_space<semaphore_mem>>
        %dma_start3A_379 = tpu.memref_squeeze %dma_start3A_378 : memref<1x!tpu.dma_semaphore, #tpu.memory_space<semaphore_mem>> -> memref<!tpu.dma_semaphore, #tpu.memory_space<semaphore_mem>>
        tpu.enqueue_indirect_dma source(%dma_start3A_377 : memref<1000000x64xf32, #tpu.memory_space<hbm>>) target(%dma_start3A_373 : memref<200x64xf32, #tpu.memory_space<vmem>>) offsets(%dma_start3A_374 : memref<200xi32, #tpu.memory_space<vmem>>) semaphore(%dma_start3A_379 : memref<!tpu.dma_semaphore, #tpu.memory_space<semaphore_mem>>)
      } else {
      }
      %mul3A_203 = arith.constant 4 : i32
      %mul3A_204 = arith.muli %add3A_159, %mul3A_203 : i32
      %add3A_205 = arith.constant 1 : i32
      %add3A_206 = arith.addi %mul3A_204, %add3A_205 : i32
      %mul3A_207 = arith.constant 200 : i32
      %mul3A_208 = arith.muli %add3A_206, %mul3A_207 : i32
      %dma_wait3A_209 = arith.constant 1 : i32
      %dma_wait3A_210 = arith.constant 1 : i32
      %dma_wait3A_211 = arith.constant 0 : i32
      %dma_wait3A_212 = arith.constant 0 : i32
      %dma_wait3A_213 = tpu.memref_slice %arg6[%dma_wait3A_209, %dma_wait3A_211, %dma_wait3A_212] : memref<4x200x64xf32, #tpu.memory_space<vmem>> -> memref<1x200x64xf32, #tpu.memory_space<vmem>>
      %dma_wait3A_214 = tpu.memref_squeeze %dma_wait3A_213 : memref<1x200x64xf32, #tpu.memory_space<vmem>> -> memref<200x64xf32, #tpu.memory_space<vmem>>
      %dma_wait3A_215 = tpu.memref_slice %arg5[%mul3A_208] : memref<25600xi32, #tpu.memory_space<vmem>> -> memref<200xi32, #tpu.memory_space<vmem>>
      %dma_wait3A_216 = arith.constant 0 : i32
      %dma_wait3A_217 = arith.constant 0 : i32
      %dma_wait3A_218 = tpu.memref_slice %arg3[%dma_wait3A_216, %dma_wait3A_217] : memref<1000000x64xf32, #tpu.memory_space<hbm>> -> memref<1000000x64xf32, #tpu.memory_space<hbm>>
      %dma_wait3A_219 = tpu.memref_slice %arg7[%dma_wait3A_210] : memref<4x!tpu.dma_semaphore, #tpu.memory_space<semaphore_mem>> -> memref<1x!tpu.dma_semaphore, #tpu.memory_space<semaphore_mem>>
      %dma_wait3A_220 = tpu.memref_squeeze %dma_wait3A_219 : memref<1x!tpu.dma_semaphore, #tpu.memory_space<semaphore_mem>> -> memref<!tpu.dma_semaphore, #tpu.memory_space<semaphore_mem>>
      tpu.wait_indirect_dma semaphore(%dma_wait3A_220 : memref<!tpu.dma_semaphore, #tpu.memory_space<semaphore_mem>>) src(%dma_wait3A_218 : memref<1000000x64xf32, #tpu.memory_space<hbm>>) dst(%dma_wait3A_214 : memref<200x64xf32, #tpu.memory_space<vmem>>)
      %mul3A_221 = arith.constant 128 : i32
      %mul3A_222 = arith.muli %add3A, %mul3A_221 : i32
      %add3A_223 = arith.addi %mul3A_222, %add3A_206 : i32
      %dma_start3A_224 = arith.constant 1 : i32
      %dma_start3A_225 = arith.constant 1 : i32
      %dma_start3A_226 = arith.constant 0 : i32
      %dma_start3A_227 = arith.constant 0 : i32
      %dma_start3A_228 = tpu.memref_slice %arg6[%dma_start3A_224, %dma_start3A_226, %dma_start3A_227] : memref<4x200x64xf32, #tpu.memory_space<vmem>> -> memref<1x200x64xf32, #tpu.memory_space<vmem>>
      %dma_start3A_229 = tpu.memref_squeeze %dma_start3A_228 : memref<1x200x64xf32, #tpu.memory_space<vmem>> -> memref<200x64xf32, #tpu.memory_space<vmem>>
      %dma_start3A_230 = arith.constant 0 : i32
      %dma_start3A_231 = arith.constant 0 : i32
      %dma_start3A_232 = tpu.memref_slice %arg4[%add3A_223, %dma_start3A_230, %dma_start3A_231] : memref<4096x200x64xf32, #tpu.memory_space<hbm>> -> memref<1x200x64xf32, #tpu.memory_space<hbm>>
      %dma_start3A_233 = tpu.memref_squeeze %dma_start3A_232 : memref<1x200x64xf32, #tpu.memory_space<hbm>> -> memref<200x64xf32, #tpu.memory_space<hbm>>
      %dma_start3A_234 = tpu.memref_slice %arg8[%dma_start3A_225] : memref<4x!tpu.dma_semaphore, #tpu.memory_space<semaphore_mem>> -> memref<1x!tpu.dma_semaphore, #tpu.memory_space<semaphore_mem>>
      %dma_start3A_235 = tpu.memref_squeeze %dma_start3A_234 : memref<1x!tpu.dma_semaphore, #tpu.memory_space<semaphore_mem>> -> memref<!tpu.dma_semaphore, #tpu.memory_space<semaphore_mem>>
      %dma_start3A_236 = arith.constant 0 : i32
      %dma_start3A_237 = arith.constant 0 : i32
      %dma_start3A_238 = tpu.memref_slice %arg4[%add3A_223, %dma_start3A_236, %dma_start3A_237] : memref<4096x200x64xf32, #tpu.memory_space<hbm>> -> memref<1x200x64xf32, #tpu.memory_space<hbm>>
      %dma_start3A_239 = tpu.memref_squeeze %dma_start3A_238 : memref<1x200x64xf32, #tpu.memory_space<hbm>> -> memref<200x64xf32, #tpu.memory_space<hbm>>
      %dma_start3A_240 = arith.constant 0 : i32
      %dma_start3A_241 = arith.constant 0 : i32
      %dma_start3A_242 = tpu.memref_slice %arg6[%dma_start3A_224, %dma_start3A_240, %dma_start3A_241] : memref<4x200x64xf32, #tpu.memory_space<vmem>> -> memref<1x200x64xf32, #tpu.memory_space<vmem>>
      %dma_start3A_243 = tpu.memref_squeeze %dma_start3A_242 : memref<1x200x64xf32, #tpu.memory_space<vmem>> -> memref<200x64xf32, #tpu.memory_space<vmem>>
      tpu.enqueue_dma source(%dma_start3A_243 : memref<200x64xf32, #tpu.memory_space<vmem>>) target(%dma_start3A_239 : memref<200x64xf32, #tpu.memory_space<hbm>>) target_semaphore(%dma_start3A_235 : memref<!tpu.dma_semaphore, #tpu.memory_space<semaphore_mem>>)
      %lt3A_244 = arith.constant 31 : i32
      %lt3A_245 = arith.cmpi slt, %add3A_159, %lt3A_244 : i32
      %convert_element_type3A_246 = arith.extui %lt3A_245 : i1 to i32
      %cond3A_247 = arith.constant 0 : i32
      %cond3A_248 = arith.cmpi ne, %convert_element_type3A_246, %cond3A_247 : i32
      scf.if %cond3A_248 {
        %mul3A_341 = arith.constant 128 : i32
        %mul3A_342 = arith.muli %add3A, %mul3A_341 : i32
        %add3A_343 = arith.addi %mul3A_342, %add3A_206 : i32
        %dma_wait3A_344 = arith.constant 1 : i32
        %dma_wait3A_345 = arith.constant 1 : i32
        %dma_wait3A_346 = arith.constant 0 : i32
        %dma_wait3A_347 = arith.constant 0 : i32
        %dma_wait3A_348 = tpu.memref_slice %arg6[%dma_wait3A_344, %dma_wait3A_346, %dma_wait3A_347] : memref<4x200x64xf32, #tpu.memory_space<vmem>> -> memref<1x200x64xf32, #tpu.memory_space<vmem>>
        %dma_wait3A_349 = tpu.memref_squeeze %dma_wait3A_348 : memref<1x200x64xf32, #tpu.memory_space<vmem>> -> memref<200x64xf32, #tpu.memory_space<vmem>>
        %dma_wait3A_350 = arith.constant 0 : i32
        %dma_wait3A_351 = arith.constant 0 : i32
        %dma_wait3A_352 = tpu.memref_slice %arg4[%add3A_343, %dma_wait3A_350, %dma_wait3A_351] : memref<4096x200x64xf32, #tpu.memory_space<hbm>> -> memref<1x200x64xf32, #tpu.memory_space<hbm>>
        %dma_wait3A_353 = tpu.memref_squeeze %dma_wait3A_352 : memref<1x200x64xf32, #tpu.memory_space<hbm>> -> memref<200x64xf32, #tpu.memory_space<hbm>>
        %dma_wait3A_354 = tpu.memref_slice %arg8[%dma_wait3A_345] : memref<4x!tpu.dma_semaphore, #tpu.memory_space<semaphore_mem>> -> memref<1x!tpu.dma_semaphore, #tpu.memory_space<semaphore_mem>>
        %dma_wait3A_355 = tpu.memref_squeeze %dma_wait3A_354 : memref<1x!tpu.dma_semaphore, #tpu.memory_space<semaphore_mem>> -> memref<!tpu.dma_semaphore, #tpu.memory_space<semaphore_mem>>
        %dma_wait3A_356 = arith.constant 0 : i32
        %dma_wait3A_357 = arith.constant 0 : i32
        %dma_wait3A_358 = tpu.memref_slice %arg4[%add3A_343, %dma_wait3A_356, %dma_wait3A_357] : memref<4096x200x64xf32, #tpu.memory_space<hbm>> -> memref<1x200x64xf32, #tpu.memory_space<hbm>>
        %dma_wait3A_359 = tpu.memref_squeeze %dma_wait3A_358 : memref<1x200x64xf32, #tpu.memory_space<hbm>> -> memref<200x64xf32, #tpu.memory_space<hbm>>
        %dma_wait3A_360 = arith.constant 0 : i32
        %dma_wait3A_361 = arith.constant 0 : i32
        %dma_wait3A_362 = tpu.memref_slice %arg6[%dma_wait3A_344, %dma_wait3A_360, %dma_wait3A_361] : memref<4x200x64xf32, #tpu.memory_space<vmem>> -> memref<1x200x64xf32, #tpu.memory_space<vmem>>
        %dma_wait3A_363 = tpu.memref_squeeze %dma_wait3A_362 : memref<1x200x64xf32, #tpu.memory_space<vmem>> -> memref<200x64xf32, #tpu.memory_space<vmem>>
        tpu.wait_dma2 semaphore(%dma_wait3A_355 : memref<!tpu.dma_semaphore, #tpu.memory_space<semaphore_mem>>) src(%dma_wait3A_363 : memref<200x64xf32, #tpu.memory_space<vmem>>) dst(%dma_wait3A_359 : memref<200x64xf32, #tpu.memory_space<hbm>>)
        %add3A_364 = arith.constant 4 : i32
        %add3A_365 = arith.addi %add3A_206, %add3A_364 : i32
        %mul3A_366 = arith.constant 200 : i32
        %mul3A_367 = arith.muli %add3A_365, %mul3A_366 : i32
        %dma_start3A_368 = arith.constant 1 : i32
        %dma_start3A_369 = arith.constant 1 : i32
        %dma_start3A_370 = arith.constant 0 : i32
        %dma_start3A_371 = arith.constant 0 : i32
        %dma_start3A_372 = tpu.memref_slice %arg6[%dma_start3A_368, %dma_start3A_370, %dma_start3A_371] : memref<4x200x64xf32, #tpu.memory_space<vmem>> -> memref<1x200x64xf32, #tpu.memory_space<vmem>>
        %dma_start3A_373 = tpu.memref_squeeze %dma_start3A_372 : memref<1x200x64xf32, #tpu.memory_space<vmem>> -> memref<200x64xf32, #tpu.memory_space<vmem>>
        %dma_start3A_374 = tpu.memref_slice %arg5[%mul3A_367] : memref<25600xi32, #tpu.memory_space<vmem>> -> memref<200xi32, #tpu.memory_space<vmem>>
        %dma_start3A_375 = arith.constant 0 : i32
        %dma_start3A_376 = arith.constant 0 : i32
        %dma_start3A_377 = tpu.memref_slice %arg3[%dma_start3A_375, %dma_start3A_376] : memref<1000000x64xf32, #tpu.memory_space<hbm>> -> memref<1000000x64xf32, #tpu.memory_space<hbm>>
        %dma_start3A_378 = tpu.memref_slice %arg7[%dma_start3A_369] : memref<4x!tpu.dma_semaphore, #tpu.memory_space<semaphore_mem>> -> memref<1x!tpu.dma_semaphore, #tpu.memory_space<semaphore_mem>>
        %dma_start3A_379 = tpu.memref_squeeze %dma_start3A_378 : memref<1x!tpu.dma_semaphore, #tpu.memory_space<semaphore_mem>> -> memref<!tpu.dma_semaphore, #tpu.memory_space<semaphore_mem>>
        tpu.enqueue_indirect_dma source(%dma_start3A_377 : memref<1000000x64xf32, #tpu.memory_space<hbm>>) target(%dma_start3A_373 : memref<200x64xf32, #tpu.memory_space<vmem>>) offsets(%dma_start3A_374 : memref<200xi32, #tpu.memory_space<vmem>>) semaphore(%dma_start3A_379 : memref<!tpu.dma_semaphore, #tpu.memory_space<semaphore_mem>>)
      } else {
      }
      %mul3A_249 = arith.constant 4 : i32
      %mul3A_250 = arith.muli %add3A_159, %mul3A_249 : i32
      %add3A_251 = arith.constant 2 : i32
      %add3A_252 = arith.addi %mul3A_250, %add3A_251 : i32
      %mul3A_253 = arith.constant 200 : i32
      %mul3A_254 = arith.muli %add3A_252, %mul3A_253 : i32
      %dma_wait3A_255 = arith.constant 2 : i32
      %dma_wait3A_256 = arith.constant 2 : i32
      %dma_wait3A_257 = arith.constant 0 : i32
      %dma_wait3A_258 = arith.constant 0 : i32
      %dma_wait3A_259 = tpu.memref_slice %arg6[%dma_wait3A_255, %dma_wait3A_257, %dma_wait3A_258] : memref<4x200x64xf32, #tpu.memory_space<vmem>> -> memref<1x200x64xf32, #tpu.memory_space<vmem>>
      %dma_wait3A_260 = tpu.memref_squeeze %dma_wait3A_259 : memref<1x200x64xf32, #tpu.memory_space<vmem>> -> memref<200x64xf32, #tpu.memory_space<vmem>>
      %dma_wait3A_261 = tpu.memref_slice %arg5[%mul3A_254] : memref<25600xi32, #tpu.memory_space<vmem>> -> memref<200xi32, #tpu.memory_space<vmem>>
      %dma_wait3A_262 = arith.constant 0 : i32
      %dma_wait3A_263 = arith.constant 0 : i32
      %dma_wait3A_264 = tpu.memref_slice %arg3[%dma_wait3A_262, %dma_wait3A_263] : memref<1000000x64xf32, #tpu.memory_space<hbm>> -> memref<1000000x64xf32, #tpu.memory_space<hbm>>
      %dma_wait3A_265 = tpu.memref_slice %arg7[%dma_wait3A_256] : memref<4x!tpu.dma_semaphore, #tpu.memory_space<semaphore_mem>> -> memref<1x!tpu.dma_semaphore, #tpu.memory_space<semaphore_mem>>
      %dma_wait3A_266 = tpu.memref_squeeze %dma_wait3A_265 : memref<1x!tpu.dma_semaphore, #tpu.memory_space<semaphore_mem>> -> memref<!tpu.dma_semaphore, #tpu.memory_space<semaphore_mem>>
      tpu.wait_indirect_dma semaphore(%dma_wait3A_266 : memref<!tpu.dma_semaphore, #tpu.memory_space<semaphore_mem>>) src(%dma_wait3A_264 : memref<1000000x64xf32, #tpu.memory_space<hbm>>) dst(%dma_wait3A_260 : memref<200x64xf32, #tpu.memory_space<vmem>>)
      %mul3A_267 = arith.constant 128 : i32
      %mul3A_268 = arith.muli %add3A, %mul3A_267 : i32
      %add3A_269 = arith.addi %mul3A_268, %add3A_252 : i32
      %dma_start3A_270 = arith.constant 2 : i32
      %dma_start3A_271 = arith.constant 2 : i32
      %dma_start3A_272 = arith.constant 0 : i32
      %dma_start3A_273 = arith.constant 0 : i32
      %dma_start3A_274 = tpu.memref_slice %arg6[%dma_start3A_270, %dma_start3A_272, %dma_start3A_273] : memref<4x200x64xf32, #tpu.memory_space<vmem>> -> memref<1x200x64xf32, #tpu.memory_space<vmem>>
      %dma_start3A_275 = tpu.memref_squeeze %dma_start3A_274 : memref<1x200x64xf32, #tpu.memory_space<vmem>> -> memref<200x64xf32, #tpu.memory_space<vmem>>
      %dma_start3A_276 = arith.constant 0 : i32
      %dma_start3A_277 = arith.constant 0 : i32
      %dma_start3A_278 = tpu.memref_slice %arg4[%add3A_269, %dma_start3A_276, %dma_start3A_277] : memref<4096x200x64xf32, #tpu.memory_space<hbm>> -> memref<1x200x64xf32, #tpu.memory_space<hbm>>
      %dma_start3A_279 = tpu.memref_squeeze %dma_start3A_278 : memref<1x200x64xf32, #tpu.memory_space<hbm>> -> memref<200x64xf32, #tpu.memory_space<hbm>>
      %dma_start3A_280 = tpu.memref_slice %arg8[%dma_start3A_271] : memref<4x!tpu.dma_semaphore, #tpu.memory_space<semaphore_mem>> -> memref<1x!tpu.dma_semaphore, #tpu.memory_space<semaphore_mem>>
      %dma_start3A_281 = tpu.memref_squeeze %dma_start3A_280 : memref<1x!tpu.dma_semaphore, #tpu.memory_space<semaphore_mem>> -> memref<!tpu.dma_semaphore, #tpu.memory_space<semaphore_mem>>
      %dma_start3A_282 = arith.constant 0 : i32
      %dma_start3A_283 = arith.constant 0 : i32
      %dma_start3A_284 = tpu.memref_slice %arg4[%add3A_269, %dma_start3A_282, %dma_start3A_283] : memref<4096x200x64xf32, #tpu.memory_space<hbm>> -> memref<1x200x64xf32, #tpu.memory_space<hbm>>
      %dma_start3A_285 = tpu.memref_squeeze %dma_start3A_284 : memref<1x200x64xf32, #tpu.memory_space<hbm>> -> memref<200x64xf32, #tpu.memory_space<hbm>>
      %dma_start3A_286 = arith.constant 0 : i32
      %dma_start3A_287 = arith.constant 0 : i32
      %dma_start3A_288 = tpu.memref_slice %arg6[%dma_start3A_270, %dma_start3A_286, %dma_start3A_287] : memref<4x200x64xf32, #tpu.memory_space<vmem>> -> memref<1x200x64xf32, #tpu.memory_space<vmem>>
      %dma_start3A_289 = tpu.memref_squeeze %dma_start3A_288 : memref<1x200x64xf32, #tpu.memory_space<vmem>> -> memref<200x64xf32, #tpu.memory_space<vmem>>
      tpu.enqueue_dma source(%dma_start3A_289 : memref<200x64xf32, #tpu.memory_space<vmem>>) target(%dma_start3A_285 : memref<200x64xf32, #tpu.memory_space<hbm>>) target_semaphore(%dma_start3A_281 : memref<!tpu.dma_semaphore, #tpu.memory_space<semaphore_mem>>)
      %lt3A_290 = arith.constant 31 : i32
      %lt3A_291 = arith.cmpi slt, %add3A_159, %lt3A_290 : i32
      %convert_element_type3A_292 = arith.extui %lt3A_291 : i1 to i32
      %cond3A_293 = arith.constant 0 : i32
      %cond3A_294 = arith.cmpi ne, %convert_element_type3A_292, %cond3A_293 : i32
      scf.if %cond3A_294 {
        %mul3A_341 = arith.constant 128 : i32
        %mul3A_342 = arith.muli %add3A, %mul3A_341 : i32
        %add3A_343 = arith.addi %mul3A_342, %add3A_252 : i32
        %dma_wait3A_344 = arith.constant 2 : i32
        %dma_wait3A_345 = arith.constant 2 : i32
        %dma_wait3A_346 = arith.constant 0 : i32
        %dma_wait3A_347 = arith.constant 0 : i32
        %dma_wait3A_348 = tpu.memref_slice %arg6[%dma_wait3A_344, %dma_wait3A_346, %dma_wait3A_347] : memref<4x200x64xf32, #tpu.memory_space<vmem>> -> memref<1x200x64xf32, #tpu.memory_space<vmem>>
        %dma_wait3A_349 = tpu.memref_squeeze %dma_wait3A_348 : memref<1x200x64xf32, #tpu.memory_space<vmem>> -> memref<200x64xf32, #tpu.memory_space<vmem>>
        %dma_wait3A_350 = arith.constant 0 : i32
        %dma_wait3A_351 = arith.constant 0 : i32
        %dma_wait3A_352 = tpu.memref_slice %arg4[%add3A_343, %dma_wait3A_350, %dma_wait3A_351] : memref<4096x200x64xf32, #tpu.memory_space<hbm>> -> memref<1x200x64xf32, #tpu.memory_space<hbm>>
        %dma_wait3A_353 = tpu.memref_squeeze %dma_wait3A_352 : memref<1x200x64xf32, #tpu.memory_space<hbm>> -> memref<200x64xf32, #tpu.memory_space<hbm>>
        %dma_wait3A_354 = tpu.memref_slice %arg8[%dma_wait3A_345] : memref<4x!tpu.dma_semaphore, #tpu.memory_space<semaphore_mem>> -> memref<1x!tpu.dma_semaphore, #tpu.memory_space<semaphore_mem>>
        %dma_wait3A_355 = tpu.memref_squeeze %dma_wait3A_354 : memref<1x!tpu.dma_semaphore, #tpu.memory_space<semaphore_mem>> -> memref<!tpu.dma_semaphore, #tpu.memory_space<semaphore_mem>>
        %dma_wait3A_356 = arith.constant 0 : i32
        %dma_wait3A_357 = arith.constant 0 : i32
        %dma_wait3A_358 = tpu.memref_slice %arg4[%add3A_343, %dma_wait3A_356, %dma_wait3A_357] : memref<4096x200x64xf32, #tpu.memory_space<hbm>> -> memref<1x200x64xf32, #tpu.memory_space<hbm>>
        %dma_wait3A_359 = tpu.memref_squeeze %dma_wait3A_358 : memref<1x200x64xf32, #tpu.memory_space<hbm>> -> memref<200x64xf32, #tpu.memory_space<hbm>>
        %dma_wait3A_360 = arith.constant 0 : i32
        %dma_wait3A_361 = arith.constant 0 : i32
        %dma_wait3A_362 = tpu.memref_slice %arg6[%dma_wait3A_344, %dma_wait3A_360, %dma_wait3A_361] : memref<4x200x64xf32, #tpu.memory_space<vmem>> -> memref<1x200x64xf32, #tpu.memory_space<vmem>>
        %dma_wait3A_363 = tpu.memref_squeeze %dma_wait3A_362 : memref<1x200x64xf32, #tpu.memory_space<vmem>> -> memref<200x64xf32, #tpu.memory_space<vmem>>
        tpu.wait_dma2 semaphore(%dma_wait3A_355 : memref<!tpu.dma_semaphore, #tpu.memory_space<semaphore_mem>>) src(%dma_wait3A_363 : memref<200x64xf32, #tpu.memory_space<vmem>>) dst(%dma_wait3A_359 : memref<200x64xf32, #tpu.memory_space<hbm>>)
        %add3A_364 = arith.constant 4 : i32
        %add3A_365 = arith.addi %add3A_252, %add3A_364 : i32
        %mul3A_366 = arith.constant 200 : i32
        %mul3A_367 = arith.muli %add3A_365, %mul3A_366 : i32
        %dma_start3A_368 = arith.constant 2 : i32
        %dma_start3A_369 = arith.constant 2 : i32
        %dma_start3A_370 = arith.constant 0 : i32
        %dma_start3A_371 = arith.constant 0 : i32
        %dma_start3A_372 = tpu.memref_slice %arg6[%dma_start3A_368, %dma_start3A_370, %dma_start3A_371] : memref<4x200x64xf32, #tpu.memory_space<vmem>> -> memref<1x200x64xf32, #tpu.memory_space<vmem>>
        %dma_start3A_373 = tpu.memref_squeeze %dma_start3A_372 : memref<1x200x64xf32, #tpu.memory_space<vmem>> -> memref<200x64xf32, #tpu.memory_space<vmem>>
        %dma_start3A_374 = tpu.memref_slice %arg5[%mul3A_367] : memref<25600xi32, #tpu.memory_space<vmem>> -> memref<200xi32, #tpu.memory_space<vmem>>
        %dma_start3A_375 = arith.constant 0 : i32
        %dma_start3A_376 = arith.constant 0 : i32
        %dma_start3A_377 = tpu.memref_slice %arg3[%dma_start3A_375, %dma_start3A_376] : memref<1000000x64xf32, #tpu.memory_space<hbm>> -> memref<1000000x64xf32, #tpu.memory_space<hbm>>
        %dma_start3A_378 = tpu.memref_slice %arg7[%dma_start3A_369] : memref<4x!tpu.dma_semaphore, #tpu.memory_space<semaphore_mem>> -> memref<1x!tpu.dma_semaphore, #tpu.memory_space<semaphore_mem>>
        %dma_start3A_379 = tpu.memref_squeeze %dma_start3A_378 : memref<1x!tpu.dma_semaphore, #tpu.memory_space<semaphore_mem>> -> memref<!tpu.dma_semaphore, #tpu.memory_space<semaphore_mem>>
        tpu.enqueue_indirect_dma source(%dma_start3A_377 : memref<1000000x64xf32, #tpu.memory_space<hbm>>) target(%dma_start3A_373 : memref<200x64xf32, #tpu.memory_space<vmem>>) offsets(%dma_start3A_374 : memref<200xi32, #tpu.memory_space<vmem>>) semaphore(%dma_start3A_379 : memref<!tpu.dma_semaphore, #tpu.memory_space<semaphore_mem>>)
      } else {
      }
      %mul3A_295 = arith.constant 4 : i32
      %mul3A_296 = arith.muli %add3A_159, %mul3A_295 : i32
      %add3A_297 = arith.constant 3 : i32
      %add3A_298 = arith.addi %mul3A_296, %add3A_297 : i32
      %mul3A_299 = arith.constant 200 : i32
      %mul3A_300 = arith.muli %add3A_298, %mul3A_299 : i32
      %dma_wait3A_301 = arith.constant 3 : i32
      %dma_wait3A_302 = arith.constant 3 : i32
      %dma_wait3A_303 = arith.constant 0 : i32
      %dma_wait3A_304 = arith.constant 0 : i32
      %dma_wait3A_305 = tpu.memref_slice %arg6[%dma_wait3A_301, %dma_wait3A_303, %dma_wait3A_304] : memref<4x200x64xf32, #tpu.memory_space<vmem>> -> memref<1x200x64xf32, #tpu.memory_space<vmem>>
      %dma_wait3A_306 = tpu.memref_squeeze %dma_wait3A_305 : memref<1x200x64xf32, #tpu.memory_space<vmem>> -> memref<200x64xf32, #tpu.memory_space<vmem>>
      %dma_wait3A_307 = tpu.memref_slice %arg5[%mul3A_300] : memref<25600xi32, #tpu.memory_space<vmem>> -> memref<200xi32, #tpu.memory_space<vmem>>
      %dma_wait3A_308 = arith.constant 0 : i32
      %dma_wait3A_309 = arith.constant 0 : i32
      %dma_wait3A_310 = tpu.memref_slice %arg3[%dma_wait3A_308, %dma_wait3A_309] : memref<1000000x64xf32, #tpu.memory_space<hbm>> -> memref<1000000x64xf32, #tpu.memory_space<hbm>>
      %dma_wait3A_311 = tpu.memref_slice %arg7[%dma_wait3A_302] : memref<4x!tpu.dma_semaphore, #tpu.memory_space<semaphore_mem>> -> memref<1x!tpu.dma_semaphore, #tpu.memory_space<semaphore_mem>>
      %dma_wait3A_312 = tpu.memref_squeeze %dma_wait3A_311 : memref<1x!tpu.dma_semaphore, #tpu.memory_space<semaphore_mem>> -> memref<!tpu.dma_semaphore, #tpu.memory_space<semaphore_mem>>
      tpu.wait_indirect_dma semaphore(%dma_wait3A_312 : memref<!tpu.dma_semaphore, #tpu.memory_space<semaphore_mem>>) src(%dma_wait3A_310 : memref<1000000x64xf32, #tpu.memory_space<hbm>>) dst(%dma_wait3A_306 : memref<200x64xf32, #tpu.memory_space<vmem>>)
      %mul3A_313 = arith.constant 128 : i32
      %mul3A_314 = arith.muli %add3A, %mul3A_313 : i32
      %add3A_315 = arith.addi %mul3A_314, %add3A_298 : i32
      %dma_start3A_316 = arith.constant 3 : i32
      %dma_start3A_317 = arith.constant 3 : i32
      %dma_start3A_318 = arith.constant 0 : i32
      %dma_start3A_319 = arith.constant 0 : i32
      %dma_start3A_320 = tpu.memref_slice %arg6[%dma_start3A_316, %dma_start3A_318, %dma_start3A_319] : memref<4x200x64xf32, #tpu.memory_space<vmem>> -> memref<1x200x64xf32, #tpu.memory_space<vmem>>
      %dma_start3A_321 = tpu.memref_squeeze %dma_start3A_320 : memref<1x200x64xf32, #tpu.memory_space<vmem>> -> memref<200x64xf32, #tpu.memory_space<vmem>>
      %dma_start3A_322 = arith.constant 0 : i32
      %dma_start3A_323 = arith.constant 0 : i32
      %dma_start3A_324 = tpu.memref_slice %arg4[%add3A_315, %dma_start3A_322, %dma_start3A_323] : memref<4096x200x64xf32, #tpu.memory_space<hbm>> -> memref<1x200x64xf32, #tpu.memory_space<hbm>>
      %dma_start3A_325 = tpu.memref_squeeze %dma_start3A_324 : memref<1x200x64xf32, #tpu.memory_space<hbm>> -> memref<200x64xf32, #tpu.memory_space<hbm>>
      %dma_start3A_326 = tpu.memref_slice %arg8[%dma_start3A_317] : memref<4x!tpu.dma_semaphore, #tpu.memory_space<semaphore_mem>> -> memref<1x!tpu.dma_semaphore, #tpu.memory_space<semaphore_mem>>
      %dma_start3A_327 = tpu.memref_squeeze %dma_start3A_326 : memref<1x!tpu.dma_semaphore, #tpu.memory_space<semaphore_mem>> -> memref<!tpu.dma_semaphore, #tpu.memory_space<semaphore_mem>>
      %dma_start3A_328 = arith.constant 0 : i32
      %dma_start3A_329 = arith.constant 0 : i32
      %dma_start3A_330 = tpu.memref_slice %arg4[%add3A_315, %dma_start3A_328, %dma_start3A_329] : memref<4096x200x64xf32, #tpu.memory_space<hbm>> -> memref<1x200x64xf32, #tpu.memory_space<hbm>>
      %dma_start3A_331 = tpu.memref_squeeze %dma_start3A_330 : memref<1x200x64xf32, #tpu.memory_space<hbm>> -> memref<200x64xf32, #tpu.memory_space<hbm>>
      %dma_start3A_332 = arith.constant 0 : i32
      %dma_start3A_333 = arith.constant 0 : i32
      %dma_start3A_334 = tpu.memref_slice %arg6[%dma_start3A_316, %dma_start3A_332, %dma_start3A_333] : memref<4x200x64xf32, #tpu.memory_space<vmem>> -> memref<1x200x64xf32, #tpu.memory_space<vmem>>
      %dma_start3A_335 = tpu.memref_squeeze %dma_start3A_334 : memref<1x200x64xf32, #tpu.memory_space<vmem>> -> memref<200x64xf32, #tpu.memory_space<vmem>>
      tpu.enqueue_dma source(%dma_start3A_335 : memref<200x64xf32, #tpu.memory_space<vmem>>) target(%dma_start3A_331 : memref<200x64xf32, #tpu.memory_space<hbm>>) target_semaphore(%dma_start3A_327 : memref<!tpu.dma_semaphore, #tpu.memory_space<semaphore_mem>>)
      %lt3A_336 = arith.constant 31 : i32
      %lt3A_337 = arith.cmpi slt, %add3A_159, %lt3A_336 : i32
      %convert_element_type3A_338 = arith.extui %lt3A_337 : i1 to i32
      %cond3A_339 = arith.constant 0 : i32
      %cond3A_340 = arith.cmpi ne, %convert_element_type3A_338, %cond3A_339 : i32
      scf.if %cond3A_340 {
        %mul3A_341 = arith.constant 128 : i32
        %mul3A_342 = arith.muli %add3A, %mul3A_341 : i32
        %add3A_343 = arith.addi %mul3A_342, %add3A_298 : i32
        %dma_wait3A_344 = arith.constant 3 : i32
        %dma_wait3A_345 = arith.constant 3 : i32
        %dma_wait3A_346 = arith.constant 0 : i32
        %dma_wait3A_347 = arith.constant 0 : i32
        %dma_wait3A_348 = tpu.memref_slice %arg6[%dma_wait3A_344, %dma_wait3A_346, %dma_wait3A_347] : memref<4x200x64xf32, #tpu.memory_space<vmem>> -> memref<1x200x64xf32, #tpu.memory_space<vmem>>
        %dma_wait3A_349 = tpu.memref_squeeze %dma_wait3A_348 : memref<1x200x64xf32, #tpu.memory_space<vmem>> -> memref<200x64xf32, #tpu.memory_space<vmem>>
        %dma_wait3A_350 = arith.constant 0 : i32
        %dma_wait3A_351 = arith.constant 0 : i32
        %dma_wait3A_352 = tpu.memref_slice %arg4[%add3A_343, %dma_wait3A_350, %dma_wait3A_351] : memref<4096x200x64xf32, #tpu.memory_space<hbm>> -> memref<1x200x64xf32, #tpu.memory_space<hbm>>
        %dma_wait3A_353 = tpu.memref_squeeze %dma_wait3A_352 : memref<1x200x64xf32, #tpu.memory_space<hbm>> -> memref<200x64xf32, #tpu.memory_space<hbm>>
        %dma_wait3A_354 = tpu.memref_slice %arg8[%dma_wait3A_345] : memref<4x!tpu.dma_semaphore, #tpu.memory_space<semaphore_mem>> -> memref<1x!tpu.dma_semaphore, #tpu.memory_space<semaphore_mem>>
        %dma_wait3A_355 = tpu.memref_squeeze %dma_wait3A_354 : memref<1x!tpu.dma_semaphore, #tpu.memory_space<semaphore_mem>> -> memref<!tpu.dma_semaphore, #tpu.memory_space<semaphore_mem>>
        %dma_wait3A_356 = arith.constant 0 : i32
        %dma_wait3A_357 = arith.constant 0 : i32
        %dma_wait3A_358 = tpu.memref_slice %arg4[%add3A_343, %dma_wait3A_356, %dma_wait3A_357] : memref<4096x200x64xf32, #tpu.memory_space<hbm>> -> memref<1x200x64xf32, #tpu.memory_space<hbm>>
        %dma_wait3A_359 = tpu.memref_squeeze %dma_wait3A_358 : memref<1x200x64xf32, #tpu.memory_space<hbm>> -> memref<200x64xf32, #tpu.memory_space<hbm>>
        %dma_wait3A_360 = arith.constant 0 : i32
        %dma_wait3A_361 = arith.constant 0 : i32
        %dma_wait3A_362 = tpu.memref_slice %arg6[%dma_wait3A_344, %dma_wait3A_360, %dma_wait3A_361] : memref<4x200x64xf32, #tpu.memory_space<vmem>> -> memref<1x200x64xf32, #tpu.memory_space<vmem>>
        %dma_wait3A_363 = tpu.memref_squeeze %dma_wait3A_362 : memref<1x200x64xf32, #tpu.memory_space<vmem>> -> memref<200x64xf32, #tpu.memory_space<vmem>>
        tpu.wait_dma2 semaphore(%dma_wait3A_355 : memref<!tpu.dma_semaphore, #tpu.memory_space<semaphore_mem>>) src(%dma_wait3A_363 : memref<200x64xf32, #tpu.memory_space<vmem>>) dst(%dma_wait3A_359 : memref<200x64xf32, #tpu.memory_space<hbm>>)
        %add3A_364 = arith.constant 4 : i32
        %add3A_365 = arith.addi %add3A_298, %add3A_364 : i32
        %mul3A_366 = arith.constant 200 : i32
        %mul3A_367 = arith.muli %add3A_365, %mul3A_366 : i32
        %dma_start3A_368 = arith.constant 3 : i32
        %dma_start3A_369 = arith.constant 3 : i32
        %dma_start3A_370 = arith.constant 0 : i32
        %dma_start3A_371 = arith.constant 0 : i32
        %dma_start3A_372 = tpu.memref_slice %arg6[%dma_start3A_368, %dma_start3A_370, %dma_start3A_371] : memref<4x200x64xf32, #tpu.memory_space<vmem>> -> memref<1x200x64xf32, #tpu.memory_space<vmem>>
        %dma_start3A_373 = tpu.memref_squeeze %dma_start3A_372 : memref<1x200x64xf32, #tpu.memory_space<vmem>> -> memref<200x64xf32, #tpu.memory_space<vmem>>
        %dma_start3A_374 = tpu.memref_slice %arg5[%mul3A_367] : memref<25600xi32, #tpu.memory_space<vmem>> -> memref<200xi32, #tpu.memory_space<vmem>>
        %dma_start3A_375 = arith.constant 0 : i32
        %dma_start3A_376 = arith.constant 0 : i32
        %dma_start3A_377 = tpu.memref_slice %arg3[%dma_start3A_375, %dma_start3A_376] : memref<1000000x64xf32, #tpu.memory_space<hbm>> -> memref<1000000x64xf32, #tpu.memory_space<hbm>>
        %dma_start3A_378 = tpu.memref_slice %arg7[%dma_start3A_369] : memref<4x!tpu.dma_semaphore, #tpu.memory_space<semaphore_mem>> -> memref<1x!tpu.dma_semaphore, #tpu.memory_space<semaphore_mem>>
        %dma_start3A_379 = tpu.memref_squeeze %dma_start3A_378 : memref<1x!tpu.dma_semaphore, #tpu.memory_space<semaphore_mem>> -> memref<!tpu.dma_semaphore, #tpu.memory_space<semaphore_mem>>
        tpu.enqueue_indirect_dma source(%dma_start3A_377 : memref<1000000x64xf32, #tpu.memory_space<hbm>>) target(%dma_start3A_373 : memref<200x64xf32, #tpu.memory_space<vmem>>) offsets(%dma_start3A_374 : memref<200xi32, #tpu.memory_space<vmem>>) semaphore(%dma_start3A_379 : memref<!tpu.dma_semaphore, #tpu.memory_space<semaphore_mem>>)
      } else {
      }
    }
    %scan3A_59 = arith.constant 32 : i32
    %mul3A_60 = arith.constant 128 : i32
    %mul3A_61 = arith.muli %add3A, %mul3A_60 : i32
    %add3A_62 = arith.constant 124 : i32
    %add3A_63 = arith.addi %mul3A_61, %add3A_62 : i32
    %dma_wait3A = arith.constant 0 : i32
    %dma_wait3A_64 = arith.constant 0 : i32
    %dma_wait3A_65 = arith.constant 0 : i32
    %dma_wait3A_66 = arith.constant 0 : i32
    %dma_wait3A_67 = tpu.memref_slice %arg6[%dma_wait3A, %dma_wait3A_65, %dma_wait3A_66] : memref<4x200x64xf32, #tpu.memory_space<vmem>> -> memref<1x200x64xf32, #tpu.memory_space<vmem>>
    %dma_wait3A_68 = tpu.memref_squeeze %dma_wait3A_67 : memref<1x200x64xf32, #tpu.memory_space<vmem>> -> memref<200x64xf32, #tpu.memory_space<vmem>>
    %dma_wait3A_69 = arith.constant 0 : i32
    %dma_wait3A_70 = arith.constant 0 : i32
    %dma_wait3A_71 = tpu.memref_slice %arg4[%add3A_63, %dma_wait3A_69, %dma_wait3A_70] : memref<4096x200x64xf32, #tpu.memory_space<hbm>> -> memref<1x200x64xf32, #tpu.memory_space<hbm>>
    %dma_wait3A_72 = tpu.memref_squeeze %dma_wait3A_71 : memref<1x200x64xf32, #tpu.memory_space<hbm>> -> memref<200x64xf32, #tpu.memory_space<hbm>>
    %dma_wait3A_73 = tpu.memref_slice %arg8[%dma_wait3A_64] : memref<4x!tpu.dma_semaphore, #tpu.memory_space<semaphore_mem>> -> memref<1x!tpu.dma_semaphore, #tpu.memory_space<semaphore_mem>>
    %dma_wait3A_74 = tpu.memref_squeeze %dma_wait3A_73 : memref<1x!tpu.dma_semaphore, #tpu.memory_space<semaphore_mem>> -> memref<!tpu.dma_semaphore, #tpu.memory_space<semaphore_mem>>
    %dma_wait3A_75 = arith.constant 0 : i32
    %dma_wait3A_76 = arith.constant 0 : i32
    %dma_wait3A_77 = tpu.memref_slice %arg4[%add3A_63, %dma_wait3A_75, %dma_wait3A_76] : memref<4096x200x64xf32, #tpu.memory_space<hbm>> -> memref<1x200x64xf32, #tpu.memory_space<hbm>>
    %dma_wait3A_78 = tpu.memref_squeeze %dma_wait3A_77 : memref<1x200x64xf32, #tpu.memory_space<hbm>> -> memref<200x64xf32, #tpu.memory_space<hbm>>
    %dma_wait3A_79 = arith.constant 0 : i32
    %dma_wait3A_80 = arith.constant 0 : i32
    %dma_wait3A_81 = tpu.memref_slice %arg6[%dma_wait3A, %dma_wait3A_79, %dma_wait3A_80] : memref<4x200x64xf32, #tpu.memory_space<vmem>> -> memref<1x200x64xf32, #tpu.memory_space<vmem>>
    %dma_wait3A_82 = tpu.memref_squeeze %dma_wait3A_81 : memref<1x200x64xf32, #tpu.memory_space<vmem>> -> memref<200x64xf32, #tpu.memory_space<vmem>>
    tpu.wait_dma2 semaphore(%dma_wait3A_74 : memref<!tpu.dma_semaphore, #tpu.memory_space<semaphore_mem>>) src(%dma_wait3A_82 : memref<200x64xf32, #tpu.memory_space<vmem>>) dst(%dma_wait3A_78 : memref<200x64xf32, #tpu.memory_space<hbm>>)
    %mul3A_83 = arith.constant 128 : i32
    %mul3A_84 = arith.muli %add3A, %mul3A_83 : i32
    %add3A_85 = arith.constant 125 : i32
    %add3A_86 = arith.addi %mul3A_84, %add3A_85 : i32
    %dma_wait3A_87 = arith.constant 1 : i32
    %dma_wait3A_88 = arith.constant 1 : i32
    %dma_wait3A_89 = arith.constant 0 : i32
    %dma_wait3A_90 = arith.constant 0 : i32
    %dma_wait3A_91 = tpu.memref_slice %arg6[%dma_wait3A_87, %dma_wait3A_89, %dma_wait3A_90] : memref<4x200x64xf32, #tpu.memory_space<vmem>> -> memref<1x200x64xf32, #tpu.memory_space<vmem>>
    %dma_wait3A_92 = tpu.memref_squeeze %dma_wait3A_91 : memref<1x200x64xf32, #tpu.memory_space<vmem>> -> memref<200x64xf32, #tpu.memory_space<vmem>>
    %dma_wait3A_93 = arith.constant 0 : i32
    %dma_wait3A_94 = arith.constant 0 : i32
    %dma_wait3A_95 = tpu.memref_slice %arg4[%add3A_86, %dma_wait3A_93, %dma_wait3A_94] : memref<4096x200x64xf32, #tpu.memory_space<hbm>> -> memref<1x200x64xf32, #tpu.memory_space<hbm>>
    %dma_wait3A_96 = tpu.memref_squeeze %dma_wait3A_95 : memref<1x200x64xf32, #tpu.memory_space<hbm>> -> memref<200x64xf32, #tpu.memory_space<hbm>>
    %dma_wait3A_97 = tpu.memref_slice %arg8[%dma_wait3A_88] : memref<4x!tpu.dma_semaphore, #tpu.memory_space<semaphore_mem>> -> memref<1x!tpu.dma_semaphore, #tpu.memory_space<semaphore_mem>>
    %dma_wait3A_98 = tpu.memref_squeeze %dma_wait3A_97 : memref<1x!tpu.dma_semaphore, #tpu.memory_space<semaphore_mem>> -> memref<!tpu.dma_semaphore, #tpu.memory_space<semaphore_mem>>
    %dma_wait3A_99 = arith.constant 0 : i32
    %dma_wait3A_100 = arith.constant 0 : i32
    %dma_wait3A_101 = tpu.memref_slice %arg4[%add3A_86, %dma_wait3A_99, %dma_wait3A_100] : memref<4096x200x64xf32, #tpu.memory_space<hbm>> -> memref<1x200x64xf32, #tpu.memory_space<hbm>>
    %dma_wait3A_102 = tpu.memref_squeeze %dma_wait3A_101 : memref<1x200x64xf32, #tpu.memory_space<hbm>> -> memref<200x64xf32, #tpu.memory_space<hbm>>
    %dma_wait3A_103 = arith.constant 0 : i32
    %dma_wait3A_104 = arith.constant 0 : i32
    %dma_wait3A_105 = tpu.memref_slice %arg6[%dma_wait3A_87, %dma_wait3A_103, %dma_wait3A_104] : memref<4x200x64xf32, #tpu.memory_space<vmem>> -> memref<1x200x64xf32, #tpu.memory_space<vmem>>
    %dma_wait3A_106 = tpu.memref_squeeze %dma_wait3A_105 : memref<1x200x64xf32, #tpu.memory_space<vmem>> -> memref<200x64xf32, #tpu.memory_space<vmem>>
    tpu.wait_dma2 semaphore(%dma_wait3A_98 : memref<!tpu.dma_semaphore, #tpu.memory_space<semaphore_mem>>) src(%dma_wait3A_106 : memref<200x64xf32, #tpu.memory_space<vmem>>) dst(%dma_wait3A_102 : memref<200x64xf32, #tpu.memory_space<hbm>>)
    %mul3A_107 = arith.constant 128 : i32
    %mul3A_108 = arith.muli %add3A, %mul3A_107 : i32
    %add3A_109 = arith.constant 126 : i32
    %add3A_110 = arith.addi %mul3A_108, %add3A_109 : i32
    %dma_wait3A_111 = arith.constant 2 : i32
    %dma_wait3A_112 = arith.constant 2 : i32
    %dma_wait3A_113 = arith.constant 0 : i32
    %dma_wait3A_114 = arith.constant 0 : i32
    %dma_wait3A_115 = tpu.memref_slice %arg6[%dma_wait3A_111, %dma_wait3A_113, %dma_wait3A_114] : memref<4x200x64xf32, #tpu.memory_space<vmem>> -> memref<1x200x64xf32, #tpu.memory_space<vmem>>
    %dma_wait3A_116 = tpu.memref_squeeze %dma_wait3A_115 : memref<1x200x64xf32, #tpu.memory_space<vmem>> -> memref<200x64xf32, #tpu.memory_space<vmem>>
    %dma_wait3A_117 = arith.constant 0 : i32
    %dma_wait3A_118 = arith.constant 0 : i32
    %dma_wait3A_119 = tpu.memref_slice %arg4[%add3A_110, %dma_wait3A_117, %dma_wait3A_118] : memref<4096x200x64xf32, #tpu.memory_space<hbm>> -> memref<1x200x64xf32, #tpu.memory_space<hbm>>
    %dma_wait3A_120 = tpu.memref_squeeze %dma_wait3A_119 : memref<1x200x64xf32, #tpu.memory_space<hbm>> -> memref<200x64xf32, #tpu.memory_space<hbm>>
    %dma_wait3A_121 = tpu.memref_slice %arg8[%dma_wait3A_112] : memref<4x!tpu.dma_semaphore, #tpu.memory_space<semaphore_mem>> -> memref<1x!tpu.dma_semaphore, #tpu.memory_space<semaphore_mem>>
    %dma_wait3A_122 = tpu.memref_squeeze %dma_wait3A_121 : memref<1x!tpu.dma_semaphore, #tpu.memory_space<semaphore_mem>> -> memref<!tpu.dma_semaphore, #tpu.memory_space<semaphore_mem>>
    %dma_wait3A_123 = arith.constant 0 : i32
    %dma_wait3A_124 = arith.constant 0 : i32
    %dma_wait3A_125 = tpu.memref_slice %arg4[%add3A_110, %dma_wait3A_123, %dma_wait3A_124] : memref<4096x200x64xf32, #tpu.memory_space<hbm>> -> memref<1x200x64xf32, #tpu.memory_space<hbm>>
    %dma_wait3A_126 = tpu.memref_squeeze %dma_wait3A_125 : memref<1x200x64xf32, #tpu.memory_space<hbm>> -> memref<200x64xf32, #tpu.memory_space<hbm>>
    %dma_wait3A_127 = arith.constant 0 : i32
    %dma_wait3A_128 = arith.constant 0 : i32
    %dma_wait3A_129 = tpu.memref_slice %arg6[%dma_wait3A_111, %dma_wait3A_127, %dma_wait3A_128] : memref<4x200x64xf32, #tpu.memory_space<vmem>> -> memref<1x200x64xf32, #tpu.memory_space<vmem>>
    %dma_wait3A_130 = tpu.memref_squeeze %dma_wait3A_129 : memref<1x200x64xf32, #tpu.memory_space<vmem>> -> memref<200x64xf32, #tpu.memory_space<vmem>>
    tpu.wait_dma2 semaphore(%dma_wait3A_122 : memref<!tpu.dma_semaphore, #tpu.memory_space<semaphore_mem>>) src(%dma_wait3A_130 : memref<200x64xf32, #tpu.memory_space<vmem>>) dst(%dma_wait3A_126 : memref<200x64xf32, #tpu.memory_space<hbm>>)
    %mul3A_131 = arith.constant 128 : i32
    %mul3A_132 = arith.muli %add3A, %mul3A_131 : i32
    %add3A_133 = arith.constant 127 : i32
    %add3A_134 = arith.addi %mul3A_132, %add3A_133 : i32
    %dma_wait3A_135 = arith.constant 3 : i32
    %dma_wait3A_136 = arith.constant 3 : i32
    %dma_wait3A_137 = arith.constant 0 : i32
    %dma_wait3A_138 = arith.constant 0 : i32
    %dma_wait3A_139 = tpu.memref_slice %arg6[%dma_wait3A_135, %dma_wait3A_137, %dma_wait3A_138] : memref<4x200x64xf32, #tpu.memory_space<vmem>> -> memref<1x200x64xf32, #tpu.memory_space<vmem>>
    %dma_wait3A_140 = tpu.memref_squeeze %dma_wait3A_139 : memref<1x200x64xf32, #tpu.memory_space<vmem>> -> memref<200x64xf32, #tpu.memory_space<vmem>>
    %dma_wait3A_141 = arith.constant 0 : i32
    %dma_wait3A_142 = arith.constant 0 : i32
    %dma_wait3A_143 = tpu.memref_slice %arg4[%add3A_134, %dma_wait3A_141, %dma_wait3A_142] : memref<4096x200x64xf32, #tpu.memory_space<hbm>> -> memref<1x200x64xf32, #tpu.memory_space<hbm>>
    %dma_wait3A_144 = tpu.memref_squeeze %dma_wait3A_143 : memref<1x200x64xf32, #tpu.memory_space<hbm>> -> memref<200x64xf32, #tpu.memory_space<hbm>>
    %dma_wait3A_145 = tpu.memref_slice %arg8[%dma_wait3A_136] : memref<4x!tpu.dma_semaphore, #tpu.memory_space<semaphore_mem>> -> memref<1x!tpu.dma_semaphore, #tpu.memory_space<semaphore_mem>>
    %dma_wait3A_146 = tpu.memref_squeeze %dma_wait3A_145 : memref<1x!tpu.dma_semaphore, #tpu.memory_space<semaphore_mem>> -> memref<!tpu.dma_semaphore, #tpu.memory_space<semaphore_mem>>
    %dma_wait3A_147 = arith.constant 0 : i32
    %dma_wait3A_148 = arith.constant 0 : i32
    %dma_wait3A_149 = tpu.memref_slice %arg4[%add3A_134, %dma_wait3A_147, %dma_wait3A_148] : memref<4096x200x64xf32, #tpu.memory_space<hbm>> -> memref<1x200x64xf32, #tpu.memory_space<hbm>>
    %dma_wait3A_150 = tpu.memref_squeeze %dma_wait3A_149 : memref<1x200x64xf32, #tpu.memory_space<hbm>> -> memref<200x64xf32, #tpu.memory_space<hbm>>
    %dma_wait3A_151 = arith.constant 0 : i32
    %dma_wait3A_152 = arith.constant 0 : i32
    %dma_wait3A_153 = tpu.memref_slice %arg6[%dma_wait3A_135, %dma_wait3A_151, %dma_wait3A_152] : memref<4x200x64xf32, #tpu.memory_space<vmem>> -> memref<1x200x64xf32, #tpu.memory_space<vmem>>
    %dma_wait3A_154 = tpu.memref_squeeze %dma_wait3A_153 : memref<1x200x64xf32, #tpu.memory_space<vmem>> -> memref<200x64xf32, #tpu.memory_space<vmem>>
    tpu.wait_dma2 semaphore(%dma_wait3A_146 : memref<!tpu.dma_semaphore, #tpu.memory_space<semaphore_mem>>) src(%dma_wait3A_154 : memref<200x64xf32, #tpu.memory_space<vmem>>) dst(%dma_wait3A_150 : memref<200x64xf32, #tpu.memory_space<hbm>>)
    return
  }
}

</mosaic_0001>

<sc_bundles>
// kernel: _sc_gather.3.cloned.1.call-start
scs
__scs_entry_jumppad:
0x0: {  	(pc) =	sbr.rel $0x88, $3  }
0x1: {  	(tag) =	ssettag $0x0;
	lr =	simm.s32 $0x1  }
0x2: {  	[smem:$0x3F9F] =	sst lr;
	_ =	strace $0xD0000000  }
0x3: {  	_ = 	snop  }
0x4: {  	_ = 	snop  }
0x5: {  	_ = 	snop  }
0x6: {  	_ = 	snop  }
0x7: {  	_ = 	snop  }
__scs_overlays_trampoline_lowered:
0x8: {  	[smem:$0x3FAE] =	sst s0  }
0x9: {  	[smem:$0x3FAF] =	sst s1  }
0xa: {  	[smem:$0x3FB0] =	sst s2  }
0xb: {  	[smem:$0x3FB1] =	sst s3  }
0xc: {  	[smem:$0x3FB2] =	sst s4  }
0xd: {  	[smem:$0x3FB3] =	sst s5  }
0xe: {  	[smem:$0x3FB4] =	sst s6  }
0xf: {  	[smem:$0x3FB5] =	sst s7  }
0x10: {  	[smem:$0x3FB6] =	sst s8  }
0x11: {  	[smem:$0x3FB7] =	sst s9;
	s0 =	simm.s32 @!p0 $0x0  }
0x12: {  	s1 =	sld [smem:$0x3F9D];
	s0 =	simm.s32 @p0 $0x1  }
0x13: {  	[smem:$0x3FB8] =	sst s0;
	s0 =	simm.s32 @!p1 $0x0  }
0x14: {  	s2 =	sld [smem:$0x3F9C];
	s0 =	simm.s32 @p1 $0x1  }
0x15: {  	[smem:$0x3FB9] =	sst s0;
	s0 =	simm.s32 @!p2 $0x0  }
0x16: {  	s3 =	sld [smem:$0x3FDB];
	s0 =	simm.s32 @p2 $0x1  }
0x17: {  	s4 =	simm.s32 $0x1BF5;
	[smem:$0x3FBB] =	sst s0  }
0x18: {  	s0 =	sld [smem:$0x3F9E];
	_ =	swait.ge [sflag:s4], $0x0  }
0x19: {  	s7 =	sld [smem:$0x3F9F]  }
0x1a: {  	s8 =	sadd.s32 $0xFFFFE003, lr  }
0x1b: {  	s9 =	sadd.s32 $0xFFFFFEF7, lr;
	s5 =	simm.s32 $0xFFFFFFFF;
	p2 =	slt.u32 s8, $0xFFFFF086  }
0x1c: {  	p1 =	slt.u32 s9, $0xF7A;
	s5 =	simm.s32 @!p2 $0x0  }
0x1d: {  	s5 =	simm.s32 @p1 $0x1;
	p0 =	seq.s32 s7, s2  }
0x1e: {  	s7 =	smul.u32 @!p0 $0xF7A, s2;
	p2 =	seq.s32 @!p0 s5, $0x0  }
0x1f: {  	s9 =	smul.u32 $0xF7A, s1;
	s8 =	simm.s32 @!p0 $0x1BF5;
	p2 =	por !p2, p0  }
0x20: {  	[sflag:s8] =	ssyncset.s32 @!p0 $0xFFFFF086;
	s6 =	sadd.s32 @!p0 s3, s7;
	s7 =	simm.s32 @!p0 $0x108  }
0x21: {  	s3 =	sadd.s32 s3, s9;
	s6 =	sadd.s32 @!p0 $0x88, s6;
	s7 =	simm.s32 @p2 $0x1082  }
0x22: {  	[simem:s7], [sflag:s8] =	dma.local @!p0 [hbm:s6], $0xF7A  }
0x23: {  	s9 =	sor.u32 $0xD0000000, s2;
	s6 =	simm.s32 $0x108;
	_ =	swait.ge @!p0 [sflag:s8], $0x0  }
0x24: {  	s3 =	sadd.s32 $0x88, s3;
	s6 =	simm.s32 @!p1 $0x1082;
	[sflag:s4] =	ssyncset.s32 $0xFFFFF086  }
0x25: {  	[simem:s6], [sflag:s4] =	dma.local [hbm:s3], $0xF7A  }
0x26: {  	[smem:$0x3F9F] =	sst s1;
	(tag) =	ssettag s2;
	_ =	strace s9  }
0x27: {  	s1 =	sld [smem:$0x3FAF]  }
0x28: {  	s2 =	sld [smem:$0x3FB0]  }
0x29: {  	s4 =	sld [smem:$0x3FB2]  }
0x2a: {  	p0 =	seq.s32 s5, $0x0;
	s5 =	sld [smem:$0x3FB3]  }
0x2b: {  	s6 =	sld [smem:$0x3FB4]  }
0x2c: {  	s7 =	sld [smem:$0x3FB5]  }
0x2d: {  	s3 =	simm.s32 $0x108;
	s8 =	sld [smem:$0x3FB6]  }
0x2e: {  	s3 =	simm.s32 @!p0 $0x1082;
	s9 =	sld [smem:$0x3FB7]  }
0x2f: {  	lr =	sadd.s32 s0, s3;
	s0 =	sld [smem:$0x3FAE]  }
0x30: {  	s3 =	sld [smem:$0x3FB1]  }
0x31: {  	[smem:$0x3FBA] =	sst s10  }
0x32: {  	s10 =	sld [smem:$0x3FB8];
	_ =	sdelay $0x3  }
0x33: {  	p0 =	seq.s32 s10, $0x1;
	s10 =	sld [smem:$0x3FBA];
	_ =	sdelay $0x3  }
0x34: {  	[smem:$0x3FBA] =	sst s10  }
0x35: {  	s10 =	sld [smem:$0x3FB9];
	_ =	sdelay $0x3  }
0x36: {  	p1 =	seq.s32 s10, $0x1;
	s10 =	sld [smem:$0x3FBA];
	_ =	sdelay $0x3  }
0x37: {  	[smem:$0x3FBA] =	sst s10  }
0x38: {  	s10 =	sld [smem:$0x3FBB]  }
0x39: {  	_ = 	snop;
	(pc) =	sbr.ind lr, $3  }
0x3a: {  	_ = 	snop  }
0x3b: {  	_ = 	snop  }
0x3c: {  	p2 =	seq.s32 s10, $0x1;
	s10 =	sld [smem:$0x3FBA]  }
0x3d: {  	_ =	shalt  }
0x3e: {  	_ =	shalt  }
0x3f: {  	_ =	shalt  }
0x40: {  	_ =	shalt  }
0x41: {  	_ =	shalt  }
0x42: {  	_ =	shalt  }
0x43: {  	_ =	shalt  }
0x44: {  	_ =	shalt  }
0x45: {  	_ =	shalt  }
0x46: {  	_ =	shalt  }
0x47: {  	_ =	shalt  }
0x48: {  	_ =	shalt  }
0x49: {  	_ =	shalt  }
0x4a: {  	_ =	shalt  }
0x4b: {  	_ =	shalt  }
0x4c: {  	_ =	shalt  }
0x4d: {  	_ =	shalt  }
0x4e: {  	_ =	shalt  }
0x4f: {  	_ =	shalt  }
0x50: {  	_ =	shalt  }
0x51: {  	_ =	shalt  }
0x52: {  	_ =	shalt  }
0x53: {  	_ =	shalt  }
0x54: {  	_ =	shalt  }
0x55: {  	_ =	shalt  }
0x56: {  	_ =	shalt  }
0x57: {  	_ =	shalt  }
0x58: {  	_ =	shalt  }
0x59: {  	_ =	shalt  }
0x5a: {  	_ =	shalt  }
0x5b: {  	_ =	shalt  }
0x5c: {  	_ =	shalt  }
0x5d: {  	_ =	shalt  }
0x5e: {  	_ =	shalt  }
0x5f: {  	_ =	shalt  }
0x60: {  	_ =	shalt  }
0x61: {  	_ =	shalt  }
0x62: {  	_ =	shalt  }
0x63: {  	_ =	shalt  }
0x64: {  	_ =	shalt  }
0x65: {  	_ =	shalt  }
0x66: {  	_ =	shalt  }
0x67: {  	_ =	shalt  }
0x68: {  	_ =	shalt  }
0x69: {  	_ =	shalt  }
0x6a: {  	_ =	shalt  }
0x6b: {  	_ =	shalt  }
0x6c: {  	_ =	shalt  }
0x6d: {  	_ =	shalt  }
0x6e: {  	_ =	shalt  }
0x6f: {  	_ =	shalt  }
0x70: {  	_ =	shalt  }
0x71: {  	_ =	shalt  }
0x72: {  	_ =	shalt  }
0x73: {  	_ =	shalt  }
0x74: {  	_ =	shalt  }
0x75: {  	_ =	shalt  }
0x76: {  	_ =	shalt  }
0x77: {  	_ =	shalt  }
0x78: {  	_ =	shalt  }
0x79: {  	_ =	shalt  }
0x7a: {  	_ =	shalt  }
0x7b: {  	_ =	shalt  }
0x7c: {  	_ =	shalt  }
0x7d: {  	_ =	shalt  }
0x7e: {  	_ =	shalt  }
0x7f: {  	_ =	shalt  }
0x80: {  	_ =	shalt  }
0x81: {  	_ =	shalt  }
0x82: {  	_ =	shalt  }
0x83: {  	_ =	shalt  }
0x84: {  	_ =	shalt  }
0x85: {  	_ =	shalt  }
0x86: {  	_ =	shalt  }
0x87: {  	_ =	shalt  }
.Lfunc_end0:
.L_simem_size_0:
called_computation.1_lowered:
.L_overlay_start_0:
0x88: {  	s2 =	sld [smem:$0x3FD9]  }
0x89: {  	s3 =	sld [smem:$0x3FFE];
	_ =	sdelay $0x1  }
0x8a: {  	s1 =	srdreg.scid  }
0x8b: {  	s0 =	sand.u32 $0x1, s1  }
0x8c: {  	s17 =	sshll.u32 s0, $0xA;
	s2 =	sadd.s32 s3, s2  }
0x8d: {  	s2 =	sadd.s32 s2, s17  }
0x8e: {  	[smem:$0x3FC6] =	sst s2  }
0x8f: {  	_ = 	snop  }
0x90: {  	s2 =	sld [smem:$0x3FC9]  }
0x91: {  	s18 =	sld [smem:$0x3FD0];
	(tm) =	ssettm $0x1  }
0x92: {  	s4 =	sld [smem:$0x3FFB];
	_ =	sdelay $0x3  }
0x93: {  	_ =	strace s4  }
0x94: {  	s4 =	sld [smem:$0x3FFC];
	_ =	sdelay $0x3  }
0x95: {  	_ =	strace s4  }
0x96: {  	s4 =	sld [smem:$0x3FFD];
	_ =	sdelay $0x3  }
0x97: {  	_ =	strace s4  }
0x98: {  	_ =	strace $0x8FFFFFFF  }
0x99: {  	s19 =	sld [smem:$0x3FDB];
	_ =	sdelay $0x1  }
0x9a: {  	s5 =	simm.s32 $_scs_section_size  }
0x9b: {  	s6 =	simm.s32 $_size__tile_overlayer_lowered;
	s7 =	simm.s32 $_tile_overlayer_lowered  }
0x9c: {  	s22 =	simm.s32 $0x1BFF;
	s21 =	sshll.u32 s7, $0x1;
	s4 =	sadd.s32 s5, s19  }
0x9d: {  	s8 =	simm.s32 $0x0;
	s20 =	sshll.u32 s6, $0x1;
	s6 =	sadd.s32 s21, s4  }
0x9e: {  	[timem:s8], [sflag:s22] =	dma.local [hbm:s6], s20  }
0x9f: {  	_ =	swait.ge [sflag:s22], s20  }
0xa0: {  	s5 =	ssub.s32 $0x0, s20;
	[sflag:s22] =	ssyncset.done $0x0  }
0xa1: {  	[sflag:s22] =	ssyncadd.s32 s5;
	_ =	sdelay $0x1  }
0xa2: {  	s23 =	simm.s32 $0x1B8B  }
0xa3: {  	_ =	swait.ge [sflag:s23], $0x1  }
0xa4: {  	[sflag:s23] =	ssyncset.done $0x0  }
0xa5: {  	s25 =	simm.s32 $0x1B8E;
	s24 =	sld [smem:$0x3FFE];
	[sflag:s23] =	ssyncadd.s32 $0xFFFFFFFF  }
0xa6: {  	s26 =	simm.s32 $execute0_lowered;
	[smem:$0x3FD2] =	sst s25  }
0xa7: {  	s6 =	sshll.u32 s26, $0x1;
	_ =	strace $0x80000046;
	[dreg:$0x1] =	wrdreg $0xFFFFFFFF  }
0xa8: {  	s28 =	simm.s32 $_size_execute0_lowered;
	s4 =	sadd.s32 s4, s6;
	[dreg:$0x0] =	wrdreg $0x0  }
0xa9: {  	s6 =	sshll.u32 s28, $0x1;
	[dreg:$0x2] =	wrdreg s4  }
0xaa: {  	[dreg:$0x3] =	wrdreg s6  }
0xab: {  	[dreg:$0x4] =	wrdreg $0xC0  }
0xac: {  	_ =	task [dreg:s8], $0x5FFFF  }
0xad: {  	[dreg:$0x1] =	wrdreg $0xFFFFFFFF  }
0xae: {  	[dreg:$0x0] =	wrdreg $0x60  }
0xaf: {  	[dreg:$0x2] =	wrdreg s2  }
0xb0: {  	[dreg:$0x3] =	wrdreg s24  }
0xb1: {  	[dreg:$0x4] =	wrdreg s18  }
0xb2: {  	[dreg:$0x5] =	wrdreg $0x9  }
0xb3: {  	_ =	task.clear_ibuf [dreg:s8], $0x6FFFF;
	_ =	strace $0x90000046  }
0xb4: {  	s29 =	simm.s32 $0x9;
	_ =	strace $0x80000048  }
0xb5: {  	_ =	swait.ge [sflag:s29], $0x1  }
0xb6: {  	[sflag:s29] =	ssyncadd.s32 $0xFFFFFFFF  }
0xb7: {  	_ =	strace $0x90000048  }
0xb8: {  	_ =	sfence  }
0xb9: {  	s30 =	sld [smem:$0x0];
	_ =	sdelay $0x2  }
0xba: {  	s31 =	sshll.u32 s1, $0xD;
	s1 =	sshrl.u32 s1, $0x2  }
0xbb: {  	s3 =	sand.u32 $0x4000, s31;
	s1 =	sadd.s32 s1, s30  }
0xbc: {  	s0 =	sor.u32 s3, s0;
	s1 =	sshll.u32 s1, $0x11  }
0xbd: {  	s0 =	sor.u32 s1, s0  }
0xbe: {  	s0 =	sadd.s32 $0x8F2B, s0  }
0xbf: {  	[sflag:s0] =	ssyncadd.remote.s32 $0x1  }
0xc0: {  	_ =	sfence.sel $0xFFFF  }
0xc1: {  	[dreg:$0x0] =	wrdreg $0xFFFFFFFF;
	(pc) =	sbr.abs _section_cstart, $3  }
0xc2: {  	[dreg:$0x1] =	wrdreg $0xFFFFFFFF  }
0xc3: {  	_ =	task.clear_ibuf [dreg:s8], $0x2FFFF;
	_ =	strace $0x9FFFFFFF  }
0xc4: {  	(tm) =	ssettm $0x7FFFFFFF  }
0xc5: {  	_ =	shalt  }
tec
execute0_lowered:
.L_overlay_start_1:
0x0: {  	(tag) =	ssettag $0x1  }
0x1: {  	s4 =	rddreg [dreg:$0x0]  }
0x2: {  	s3 =	rddreg [dreg:$0x1];
	s1 =	srdreg.scid  }
0x3: {  	s0 =	stileid.u32;
	s6 =	rddreg [dreg:$0x2]  }
0x4: {  	s2 =	simm.s32 $0x0;
	s11 =	simm.s32 $0x190;
	s12 =	simm.s32 $0xC800  }
0x5: {  	s13 =	simm.s32 $0x258;
	s14 =	simm.s32 $0xFA00;
	s15 =	simm.s32 $0x1  }
0x6: {  	s16 =	simm.s32 $0x2;
	s17 =	simm.s32 $0x3;
	s18 =	simm.s32 $0x4  }
0x7: {  	s19 =	simm.s32 $0x5;
	s20 =	simm.s32 $0x6;
	s21 =	simm.s32 $0x7  }
0x8: {  	s22 =	simm.s32 $0x8;
	s23 =	simm.s32 $0x0;
	s5 =	sand.u32 $0x1, s1  }
0x9: {  	s7 =	sshll.u32 s0, $0x1;
	s1 =	rddreg [dreg:$0x3];
	s10 =	smul.u32 $0x64000, s0  }
0xa: {  	[smem:$0x7FF] =	sst s2;
	s3 =	sadd.s32 $0xF42C00, s3;
	s31 =	smul.u32 $0x32000, s5  }
.Ltmp0:
0xb: {  	s7 =	sor.u32 s5, s7;
	s8 =	ssub.s32 $0x2, s5;
	(pc) =	sbr.rel .LBB2_1-.Ltmp0, $4  }
0xc: {  	_ =	strace $0x80000047;
	s7 =	smul.u32 $0xC80, s7;
	s9 =	sshrl.u32 s8, $0x1  }
0xd: {  	s6 =	sadd.s32 s10, s6;
	s10 =	simm.s32 $0x9600;
	s8 =	ssub.s32 s8, s9  }
0xe: {  	s6 =	sadd.s32 s31, s6;
	s9 =	simm.s32 $0x6400;
	s4 =	sadd.s32 s4, s7  }
0xf: {  	s5 =	smax.u32 s8, $0x1;
	s7 =	simm.s32 $0x9;
	s8 =	simm.s32 $0xC8  }
.LBB2_4:
0x10: {  	_ =	swait.ge [sflag:s19], $0x3200  }
0x11: {  	[sflag:s19] =	ssyncset.done $0x0  }
0x12: {  	[sflag:s19] =	ssyncadd.s32 $0xFFFFCE00  }
0x13: {  	_ =	swait.ge [sflag:s20], $0x3200  }
0x14: {  	[sflag:s20] =	ssyncset.done $0x0  }
0x15: {  	s23 =	sadd.s32 $0x1, s23;
	[sflag:s20] =	ssyncadd.s32 $0xFFFFCE00  }
0x16: {  	p0 =	sne.s32 s23, s5;
	_ =	swait.ge [sflag:s21], $0x3200  }
.Ltmp1:
0x17: {  	[sflag:s21] =	ssyncset.done $0x0;
	(pc) =	sbr.rel @!p0 .LBB2_5-.Ltmp1, $4  }
0x18: {  	[sflag:s21] =	ssyncadd.s32 $0xFFFFCE00  }
0x19: {  	_ =	swait.ge [sflag:s22], $0x3200  }
0x1a: {  	[sflag:s22] =	ssyncset.done $0x0  }
0x1b: {  	[sflag:s22] =	ssyncadd.s32 $0xFFFFCE00  }
.LBB2_1:
0x1c: {  	[tilespmem:s2], [sflag:$0x9] =	stream.linear.gather [hbm4b:s4+s2], $0x6400, $0x38;
	[tilespmem:$0x12C00] =	vst v63  }
0x1d: {  	_ =	swait.ge [sflag:s7], $0x6400  }
0x1e: {  	[sflag:s7] =	ssyncset.done $0x0  }
0x1f: {  	[sflag:s7] =	ssyncadd.s32 $0xFFFF9C00  }
0x20: {  	[tilespmem:s9], [sflag:$0x1] =	stream.indirect.gather [hbm4b:s3+s8], $0x40, s2, s8, $0xb8;
	[tilespmem:$0x12C00] =	vst v63  }
0x21: {  	_ = 	snop  }
0x22: {  	[tilespmem:s10], [sflag:$0x2] =	stream.indirect.gather [hbm4b:s3+s8], $0x40, s8, s8, $0xb8;
	[tilespmem:$0x12C00] =	vst v63  }
0x23: {  	_ = 	snop  }
0x24: {  	[tilespmem:s12], [sflag:$0x3] =	stream.indirect.gather [hbm4b:s3+s8], $0x40, s11, s8, $0xb8;
	[tilespmem:$0x12C00] =	vst v63  }
0x25: {  	s24 =	smov.u32 s6;
	s25 =	simm.s32 $0x0  }
0x26: {  	[tilespmem:s14], [sflag:$0x4] =	stream.indirect.gather [hbm4b:s3+s8], $0x40, s13, s8, $0xb8;
	[tilespmem:$0x12C00] =	vst v63  }
.LBB2_2:
0x27: {  	_ =	swait.ge [sflag:s15], $0x3200  }
0x28: {  	p0 =	seq.s32 s25, $0x18380;
	[sflag:s15] =	ssyncset.done $0x0  }
0x29: {  	s26 =	simm.s32 @!p0 $0x5;
	[sflag:s15] =	ssyncadd.s32 $0xFFFFCE00  }
0x2a: {  	[hbm4b:s24+s2] =	stream.linear.scatter [tilespmem:s9], [sflag:$0x5], $0x3200, $0x38;
	[tilespmem:$0x12C00] =	vst v63  }
0x2b: {  	_ =	swait.ge @!p0 [sflag:s26], $0x3200  }
0x2c: {  	[sflag:s26] =	ssyncset.done @!p0 $0x0  }
0x2d: {  	[sflag:s26] =	ssyncadd.s32 @!p0 $0xFFFFCE00;
	s26 =	sshra.s32 @!p0 s25, $0x2  }
0x2e: {  	s29 =	simm.s32 @!p0 $0xC8;
	s30 =	simm.s32 @!p0 $0x6400;
	s28 =	sadd.s32 @!p0 $0x320, s26  }
0x2f: {  	[tilespmem:s30], [sflag:$0x1] =	stream.indirect.gather @!p0 [hbm4b:s3+s29], $0x40, s28, s29, $0xb8;
	[tilespmem:$0x12C00] =	vst v63  }
0x30: {  	_ =	swait.ge [sflag:s16], $0x3200  }
0x31: {  	[sflag:s16] =	ssyncset.done $0x0  }
0x32: {  	s31 =	sadd.s32 $0x640, s24;
	s28 =	simm.s32 @!p0 $0x6;
	[sflag:s16] =	ssyncadd.s32 $0xFFFFCE00  }
0x33: {  	[hbm4b:s31+s2] =	stream.linear.scatter [tilespmem:s10], [sflag:$0x6], $0x3200, $0x38;
	[tilespmem:$0x12C00] =	vst v63  }
0x34: {  	_ =	swait.ge @!p0 [sflag:s28], $0x3200  }
0x35: {  	[sflag:s28] =	ssyncset.done @!p0 $0x0  }
0x36: {  	s30 =	simm.s32 @!p0 $0x9600;
	[sflag:s28] =	ssyncadd.s32 @!p0 $0xFFFFCE00;
	s28 =	sadd.s32 @!p0 $0x3E8, s26  }
0x37: {  	[tilespmem:s30], [sflag:$0x2] =	stream.indirect.gather @!p0 [hbm4b:s3+s29], $0x40, s28, s29, $0xb8;
	[tilespmem:$0x12C00] =	vst v63  }
0x38: {  	_ =	swait.ge [sflag:s17], $0x3200  }
0x39: {  	[sflag:s17] =	ssyncset.done $0x0  }
0x3a: {  	s30 =	sadd.s32 $0xC80, s24;
	s28 =	simm.s32 @!p0 $0x7;
	[sflag:s17] =	ssyncadd.s32 $0xFFFFCE00  }
0x3b: {  	[hbm4b:s30+s2] =	stream.linear.scatter [tilespmem:s12], [sflag:$0x7], $0x3200, $0x38;
	[tilespmem:$0x12C00] =	vst v63  }
0x3c: {  	_ =	swait.ge @!p0 [sflag:s28], $0x3200  }
0x3d: {  	[sflag:s28] =	ssyncset.done @!p0 $0x0  }
0x3e: {  	s26 =	sadd.s32 @!p0 $0x4B0, s26;
	[sflag:s28] =	ssyncadd.s32 @!p0 $0xFFFFCE00;
	s28 =	simm.s32 @!p0 $0xC800  }
0x3f: {  	[tilespmem:s28], [sflag:$0x3] =	stream.indirect.gather @!p0 [hbm4b:s3+s29], $0x40, s26, s29, $0xb8;
	[tilespmem:$0x12C00] =	vst v63  }
.Ltmp2:
0x40: {  	_ = 	snop;
	(pc) =	sbr.rel @p0 .LBB2_4-.Ltmp2, $4  }
0x41: {  	_ =	swait.ge [sflag:s18], $0x3200  }
0x42: {  	[sflag:s18] =	ssyncset.done $0x0  }
0x43: {  	s31 =	sadd.s32 $0x12C0, s24;
	[sflag:s18] =	ssyncadd.s32 $0xFFFFCE00  }
0x44: {  	[hbm4b:s31+s2] =	stream.linear.scatter [tilespmem:s14], [sflag:$0x8], $0x3200, $0x38;
	[tilespmem:$0x12C00] =	vst v63  }
.Ltmp3:
0x45: {  	(pc) =	sbr.rel .LBB2_2-.Ltmp3, $4  }
0x46: {  	_ =	swait.ge [sflag:s22], $0x3200  }
0x47: {  	s26 =	sshra.s32 s25, $0x2;
	s25 =	sadd.s32 $0xC80, s25;
	[sflag:s22] =	ssyncset.done $0x0  }
0x48: {  	s24 =	sadd.s32 $0x1900, s24;
	s26 =	sadd.s32 $0x578, s26;
	[sflag:s22] =	ssyncadd.s32 $0xFFFFCE00  }
0x49: {  	[tilespmem:s14], [sflag:$0x4] =	stream.indirect.gather [hbm4b:s3+s8], $0x40, s26, s8, $0xb8;
	[tilespmem:$0x12C00] =	vst v63  }
.LBB2_5:
0x4a: {  	_ =	sfence.sel $0x180000  }
0x4b: {  	[bflag:$0x0] =	sbarrier.arrive $0xFFFF  }
0x4c: {  	p0 =	sne.s32 s0, $0x0;
	_ =	strace $0x90000047  }
0x4d: {  	s0 =	sadd.s32 @!p0 $0x100000, s1;
	[bflag:$0x2] =	sbarrier.arrive $0xFFFF  }
0x4e: {  	[sflag:s0] =	ssyncadd.tile.s32 @!p0 $0x1;
	_ =	shalt  }
.Lfunc_end2:
_tile_overlayer_lowered:
.L_overlay_start_2:
0x4f: {  	(tag) =	ssettag $0x2  }
0x50: {  	s0 =	rddreg [dreg:$0x0];
	s2 =	stileid.u32  }
0x51: {  	s1 =	rddreg [dreg:$0x1];
	p0 =	sne.s32 s2, $0x0  }
0x52: {  	s3 =	rddreg [dreg:$0x2];
	[bflag:$0x3] =	sbarrier.arrive $0xFFFF;
	s2 =	simm.s32 @!p0 $0x1C09  }
0x53: {  	[timem:s3], [sflag:s2] =	dma.local @!p0 [hbm:s0], s1  }
0x54: {  	s0 =	simm.s32 @!p0 $0x9  }
0x55: {  	_ =	swait.ge @!p0 [sflag:s0], s1  }
0x56: {  	s1 =	ssub.s32 @!p0 $0x0, s1;
	[sflag:s0] =	ssyncset.done @!p0 $0x0  }
0x57: {  	[sflag:s0] =	ssyncadd.s32 @!p0 s1  }
0x58: {  	[bflag:$0x3] =	sbarrier.arrive $0xFFFF  }
0x59: {  	_ =	shalt  }

// kernel: sparse-core-data-format-call.cloned.1.call-start
scs
called_computation_lowered:
.L_overlay_start_0:
0x0: {  	s2 =	sld [smem:$0x3FD9]  }
0x1: {  	s3 =	sld [smem:$0x3FFE];
	_ =	sdelay $0x1  }
0x2: {  	s1 =	srdreg.scid  }
0x3: {  	s0 =	sand.u32 $0x1, s1  }
0x4: {  	s18 =	sshll.u32 s0, $0xA;
	s2 =	sadd.s32 s3, s2  }
0x5: {  	s2 =	sadd.s32 s2, s18  }
0x6: {  	[smem:$0x3FC6] =	sst s2  }
0x7: {  	_ = 	snop  }
0x8: {  	s2 =	sld [smem:$0x3FD0];
	(tm) =	ssettm $0x1  }
0x9: {  	s19 =	sld [smem:$0x3FFB];
	_ =	sdelay $0x3  }
0xa: {  	_ =	strace s19  }
0xb: {  	s3 =	sld [smem:$0x3FFC];
	_ =	sdelay $0x3  }
0xc: {  	_ =	strace s3  }
0xd: {  	s3 =	sld [smem:$0x3FFD];
	_ =	sdelay $0x3  }
0xe: {  	_ =	strace s3  }
0xf: {  	_ =	strace $0x8FFFFFFF  }
0x10: {  	s20 =	sld [smem:$0x3FDB];
	_ =	sdelay $0x1  }
0x11: {  	s4 =	simm.s32 $_scs_section_size  }
0x12: {  	s5 =	simm.s32 $_size__tile_overlayer_lowered;
	s6 =	simm.s32 $_tile_overlayer_lowered  }
0x13: {  	s23 =	simm.s32 $0x1BFF;
	s22 =	sshll.u32 s6, $0x1;
	s3 =	sadd.s32 s4, s20  }
0x14: {  	s7 =	simm.s32 $0x0;
	s21 =	sshll.u32 s5, $0x1;
	s5 =	sadd.s32 s22, s3  }
0x15: {  	[timem:s7], [sflag:s23] =	dma.local [hbm:s5], s21  }
0x16: {  	_ =	swait.ge [sflag:s23], s21  }
0x17: {  	s4 =	ssub.s32 $0x0, s21;
	[sflag:s23] =	ssyncset.done $0x0  }
0x18: {  	[sflag:s23] =	ssyncadd.s32 s4;
	_ =	sdelay $0x1  }
0x19: {  	s24 =	simm.s32 $0x1B8B  }
0x1a: {  	_ =	swait.ge [sflag:s24], $0x1  }
0x1b: {  	[sflag:s24] =	ssyncset.done $0x0  }
0x1c: {  	s26 =	simm.s32 $0x1B8E;
	s25 =	sld [smem:$0x3FFE];
	[sflag:s24] =	ssyncadd.s32 $0xFFFFFFFF  }
0x1d: {  	s27 =	simm.s32 $execute0_lowered;
	[smem:$0x3FD2] =	sst s26  }
0x1e: {  	s5 =	sshll.u32 s27, $0x1;
	_ =	strace $0x80000049;
	[dreg:$0x1] =	wrdreg $0xFFFFFFFF  }
0x1f: {  	s28 =	simm.s32 $_size_execute0_lowered;
	s3 =	sadd.s32 s3, s5;
	[dreg:$0x0] =	wrdreg $0x0  }
0x20: {  	s5 =	sshll.u32 s28, $0x1;
	[dreg:$0x2] =	wrdreg s3  }
0x21: {  	[dreg:$0x3] =	wrdreg s5  }
0x22: {  	[dreg:$0x4] =	wrdreg $0xC0  }
0x23: {  	_ =	task [dreg:s7], $0x5FFFF  }
0x24: {  	[dreg:$0x1] =	wrdreg $0xFFFFFFFF  }
0x25: {  	[dreg:$0x0] =	wrdreg $0x60  }
0x26: {  	[dreg:$0x2] =	wrdreg s25  }
0x27: {  	[dreg:$0x3] =	wrdreg s2  }
0x28: {  	[dreg:$0x4] =	wrdreg $0x9  }
0x29: {  	_ =	task.clear_ibuf [dreg:s7], $0x5FFFF;
	_ =	strace $0x90000049  }
0x2a: {  	s29 =	simm.s32 $0x9;
	_ =	strace $0x8000004B  }
0x2b: {  	_ =	swait.ge [sflag:s29], $0x1  }
0x2c: {  	[sflag:s29] =	ssyncadd.s32 $0xFFFFFFFF  }
0x2d: {  	_ =	strace $0x9000004B  }
0x2e: {  	_ =	sfence  }
0x2f: {  	s30 =	sld [smem:$0x0];
	_ =	sdelay $0x2  }
0x30: {  	s31 =	sshll.u32 s1, $0xD;
	s1 =	sshrl.u32 s1, $0x2  }
0x31: {  	s3 =	sand.u32 $0x4000, s31;
	s1 =	sadd.s32 s1, s30  }
0x32: {  	s0 =	sor.u32 s3, s0;
	s1 =	sshll.u32 s1, $0x11  }
0x33: {  	s0 =	sor.u32 s1, s0  }
0x34: {  	s0 =	sadd.s32 $0x8F2B, s0  }
0x35: {  	[sflag:s0] =	ssyncadd.remote.s32 $0x1  }
0x36: {  	_ =	sfence.sel $0xFFFF  }
0x37: {  	[dreg:$0x0] =	wrdreg $0xFFFFFFFF;
	(pc) =	sbr.abs _section_cstart, $3  }
0x38: {  	[dreg:$0x1] =	wrdreg $0xFFFFFFFF  }
0x39: {  	_ =	task.clear_ibuf [dreg:s7], $0x2FFFF;
	_ =	strace $0x9FFFFFFF  }
0x3a: {  	(tm) =	ssettm $0x7FFFFFFF  }
0x3b: {  	_ =	shalt  }
tec
execute0_lowered:
.L_overlay_start_1:
0x0: {  	(tag) =	ssettag $0x1  }
0x1: {  	s0 =	srdreg.scid  }
0x2: {  	s1 =	sshll.u32 s0, $0x4  }
0x3: {  	s0 =	stileid.u32;
	s1 =	sand.u32 $0x10, s1  }
0x4: {  	s1 =	sor.u32 s0, s1  }
0x5: {  	s6 =	rddreg [dreg:$0x0];
	s4 =	simm.s32 $0x1;
	s2 =	sshll.u32 s1, $0x7  }
0x6: {  	s7 =	simm.s32 $0x2;
	s12 =	simm.s32 $0x0;
	s1 =	ssub.s32 $0x1000, s2  }
0x7: {  	s8 =	simm.s32 $0x8000;
	s13 =	simm.s32 $0x0;
	s3 =	sand.u32 $0xF80, s1  }
0x8: {  	s9 =	simm.s32 $0x0;
	s5 =	sshrl.u32 s1, $0xC;
	p0 =	sne.s32 s3, $0x0  }
.Ltmp0:
0x9: {  	s1 =	rddreg [dreg:$0x2];
	s4 =	simm.s32 @!p0 $0x0;
	(pc) =	sbr.rel .LBB1_1-.Ltmp0, $4  }
0xa: {  	s11 =	simm.s32 $0x0;
	s3 =	rddreg [dreg:$0x1];
	s5 =	sadd.s32 s4, s5  }
0xb: {  	_ =	strace $0x8000004A;
	s4 =	simm.s32 $0x1;
	s5 =	smul.u32 $0xC8, s5  }
0xc: {  	s6 =	sadd.s32 $0x800, s6;
	s10 =	smov.u32 s2;
	[sflag:s4] =	ssyncpa.u1 $0x0  }
0xd: {  	p0 =	por $0x0, $0x0;
	[sflag:s7] =	ssyncpa.u1 $0x0;
	s7 =	sor.u32 $0x1, s5  }
.LBB1_4:
0xe: {  	s16 =	sshll.u32 s13, $0x3;
	s17 =	sand.u32 $0x78, s13  }
0xf: {  	s30 =	sand.u32 $0x7E00, s13;
	s12 =	sshll.u32 s12, $0xF;
	s16 =	sand.u32 $0xC00, s16  }
0x10: {  	[tilespmem:s15+$0x810 ss:$0x81] =	vst.msk $0xffff, v2;
	s31 =	sand.u32 $0x7, s13;
	s16 =	sor.u32 s17, s16;
	s17 =	sadd.s32 s3, s30  }
0x11: {  	[tilespmem:s15+$0x1020 ss:$0x81] =	vst.msk $0xffff, v0;
	s13 =	sshll.u32 s31, $0x12;
	s12 =	sadd.s32 s12, s17;
	s16 =	sshrl.u32 s16, $0x3  }
0x12: {  	[tilespmem:s15+$0x0 ss:$0x81] =	vst.msk $0xffff, v1;
	s13 =	sor.u32 $0x400, s13;
	s12 =	sadd.s32 s16, s12  }
0x13: {  	[hbm4b:s12+s13] =	stream.strided.scatter [tilespmem:s14], [sflag:$0x2], $0x2000, s8, s13, $0x20;
	[tilespmem:$0x8080] =	vst v63  }
.LBB1_5:
0x14: {  	s14 =	sadd.s32 $0x1, s9  }
0x15: {  	s12 =	sadd.s32 $0x1000, s10;
	s16 =	smov.u32 s10;
	p2 =	sgt.s32 s14, $0xC7  }
0x16: {  	s16 =	smov.u32 @p2 s12  }
0x17: {  	s14 =	simm.s32 @p2 $0x0;
	p2 =	sgt.s32 s16, $0xFFF  }
0x18: {  	s16 =	smov.u32 @p2 s2;
	p2 =	sne.s32 s11, s7  }
.Ltmp1:
0x19: {  	p1 =	slt.u32 s11, $0x2;
	(pc) =	sbr.rel @!p2 .LBB1_6-.Ltmp1, $4  }
0x1a: {  	s15 =	simm.s32 @!p1 $0x2  }
0x1b: {  	s13 =	smov.u32 s10;
	p0 =	por !p0, !p0;
	_ =	swait.ge @!p1 [sflag:s15], $0x2000  }
0x1c: {  	s12 =	smov.u32 s9;
	[sflag:s15] =	ssyncset.done @!p1 $0x0;
	s9 =	smov.u32 s14  }
0x1d: {  	s11 =	sadd.s32 $0x1, s11;
	[sflag:s15] =	ssyncadd.s32 @!p1 $0xFFFFE000;
	s10 =	smov.u32 s16  }
.LBB1_1:
0x1e: {  	p1 =	sge.u32 s11, s5  }
0x1f: {  	s14 =	sand.u32 @!p1 $0x1FFFFFF, s9  }
0x20: {  	s15 =	smulhi.u32 @!p1 $0x147AE15, s14;
	_ =	sdelay $0x1  }
0x21: {  	s15 =	smul.u32 @!p1 $0xC8, s15  }
0x22: {  	s16 =	sxor.u32 @!p1 $0xFFFFFFFF, s11;
	s17 =	smul.u32 @!p1 $0xC80, s10  }
0x23: {  	s31 =	sadd.s32 $0xFFFFFFFF, s11;
	s16 =	sshll.u32 @!p1 s16, $0xD;
	s14 =	ssub.s32 @!p1 s14, s15  }
0x24: {  	s15 =	sand.u32 @!p1 $0x2000, s16;
	s16 =	sadd.s32 @!p1 s6, s17;
	s14 =	sshll.u32 @!p1 s14, $0x4  }
0x25: {  	s17 =	simm.s32 @!p1 $0x6400;
	s14 =	sadd.s32 @!p1 s14, s16;
	s16 =	simm.s32 @!p1 $0x40  }
0x26: {  	[tilespmem:s15], [sflag:$0x1] =	stream.strided.gather @!p1 [hbm4b:s14+s16], $0x2000, s17, s16, $0x38;
	[tilespmem:$0x8080] =	vst v63  }
0x27: {  	p1 =	sge.u32 s31, s5  }
.Ltmp2:
0x28: {  	_ = 	snop;
	(pc) =	sbr.rel @p1 .LBB1_5-.Ltmp2, $1  }
0x29: {  	_ =	sdelay $0x3  }
0x2a: {  	s14 =	simm.s32 $0x1  }
0x2b: {  	_ =	swait.ge [sflag:s4], $0x2000;
	s14 =	simm.s32 @!p0 $0x0  }
0x2c: {  	[sflag:s4] =	ssyncset.done $0x0;
	s15 =	sshll.u32 s14, $0xD  }
0x2d: {  	[sflag:s4] =	ssyncadd.s32 $0xFFFFE000;
	s18 =	sor.u32 $0x20, s15  }
0x2e: {  	s14 =	smul.u32 $0x8100, s14;
	v3 =	vld [tilespmem:s18+$0x10]  }
0x2f: {  	s30 =	sand.u32 $0x1, s11;
	v2 =	vld [tilespmem:s18+$0xFFFFFFF0]  }
0x30: {  	s15 =	smul.u32 $0x8100, s30;
	s14 =	sshrl.u32 s14, $0x2;
	v0 =	vld [tilespmem:s18+$0x0]  }
0x31: {  	v1 =	vld [tilespmem:s18+$0xFFFFFFE0];
	s16 =	sor.u32 $0x4000, s14  }
0x32: {  	s31 =	sshrl.u32 s15, $0x2;
	s15 =	sadd.s32 $0x0, s16  }
0x33: {  	s17 =	simm.s32 $0x4;
	s18 =	sadd.s32 $0x40, s18;
	s14 =	sor.u32 $0x4000, s31;
	[tilespmem:s15+$0x1830 ss:$0x81] =	vst.msk $0xffff, v3  }
.LBB1_3:
0x34: {  	v3 =	vld [tilespmem:s18+$0x10];
	p1 =	sne.s32 s17, $0x1FC;
	[tilespmem:s15+$0x810 ss:$0x81] =	vst.msk $0xffff, v2;
	s19 =	smov.u32 s17;
	s17 =	sadd.s32 $0x4, s17  }
.Ltmp3:
0x35: {  	v2 =	vld [tilespmem:s18+$0xFFFFFFF0];
	[tilespmem:s15+$0x1020 ss:$0x81] =	vst.msk $0xffff, v0;
	(pc) =	sbr.rel @p1 .LBB1_3-.Ltmp3, $4  }
0x36: {  	v0 =	vld [tilespmem:s18+$0x0];
	[tilespmem:s15+$0x0 ss:$0x81] =	vst.msk $0xffff, v1  }
0x37: {  	s15 =	sshra.s32 s19, $0x2;
	v1 =	vld [tilespmem:s18+$0xFFFFFFE0]  }
0x38: {  	s15 =	sadd.s32 s15, s16  }
0x39: {  	s18 =	sadd.s32 $0x40, s18;
	[tilespmem:s15+$0x1830 ss:$0x81] =	vst.msk $0xffff, v3  }
.Ltmp4:
0x3a: {  	_ = 	snop;
	(pc) =	sbr.rel .LBB1_4-.Ltmp4, $1  }
0x3b: {  	_ =	sdelay $0x3  }
.LBB1_6:
0x3c: {  	_ =	sfence.sel $0x180000  }
0x3d: {  	s2 =	simm.s32 $0x1;
	[bflag:$0x0] =	sbarrier.arrive $0xFFFF  }
0x3e: {  	s31 =	simm.s32 $0x2;
	[sflag:s2] =	ssyncpa.u1 $0x1  }
0x3f: {  	[sflag:s31] =	ssyncpa.u1 $0x1  }
0x40: {  	p0 =	sne.s32 s0, $0x0;
	_ =	strace $0x9000004A  }
0x41: {  	s0 =	sadd.s32 @!p0 $0x100000, s1;
	[bflag:$0x2] =	sbarrier.arrive $0xFFFF  }
0x42: {  	[sflag:s0] =	ssyncadd.tile.s32 @!p0 $0x1;
	_ =	shalt  }
.Lfunc_end1:
_tile_overlayer_lowered:
.L_overlay_start_2:
0x43: {  	(tag) =	ssettag $0x2  }
0x44: {  	s0 =	rddreg [dreg:$0x0];
	s2 =	stileid.u32  }
0x45: {  	s1 =	rddreg [dreg:$0x1];
	p0 =	sne.s32 s2, $0x0  }
0x46: {  	s3 =	rddreg [dreg:$0x2];
	[bflag:$0x3] =	sbarrier.arrive $0xFFFF;
	s2 =	simm.s32 @!p0 $0x1C01  }
0x47: {  	[timem:s3], [sflag:s2] =	dma.local @!p0 [hbm:s0], s1  }
0x48: {  	s0 =	simm.s32 @!p0 $0x1  }
0x49: {  	_ =	swait.ge @!p0 [sflag:s0], s1  }
0x4a: {  	s1 =	ssub.s32 @!p0 $0x0, s1;
	[sflag:s0] =	ssyncset.done @!p0 $0x0  }
0x4b: {  	[sflag:s0] =	ssyncadd.s32 @!p0 s1  }
0x4c: {  	[bflag:$0x3] =	sbarrier.arrive $0xFFFF  }
0x4d: {  	_ =	shalt  }

</sc_bundles>
